<compile_context>
chip_gen: v7x
topology: tpu7x:2x2x1
jax: 0.10.2.dev20260603
libtpu: 0.0.44.dev20260713+nightly
codegen_flags: <defaults>
</compile_context>

<pallas_src>
import numpy as np
import jax
import jax.numpy as jnp
from jax import lax
from jax.experimental import pallas as pl
from jax.experimental.pallas import tpu as pltpu
from jax.experimental.pallas import tpu_sc as plsc

_MISSING = 0.0
_THRESH = 0.4
_B, _S, _F = 4, 4096, 1024
_ROWS = _B * _S

_NC, _NS = 2, 16
_NW = _NC * _NS
_CK = 32
_CZ = 32


def _rotl32(x: np.ndarray, d: int) -> np.ndarray:
    return ((x << np.uint32(d)) | (x >> np.uint32(32 - d))).astype(np.uint32)


def _threefry2x32_np(k0: int, k1: int, x0: np.ndarray, x1: np.ndarray):
    ks = [np.uint32(k0), np.uint32(k1),
          np.uint32(k0) ^ np.uint32(k1) ^ np.uint32(0x1BD11BDA)]
    rot = [[13, 15, 26, 6], [17, 29, 16, 24]]
    x0 = (x0 + ks[0]).astype(np.uint32)
    x1 = (x1 + ks[1]).astype(np.uint32)
    for i in range(5):
        for r in rot[i % 2]:
            x0 = (x0 + x1).astype(np.uint32)
            x1 = _rotl32(x1, r)
            x1 = (x1 ^ x0).astype(np.uint32)
        x0 = (x0 + ks[(i + 1) % 3]).astype(np.uint32)
        x1 = (x1 + ks[(i + 2) % 3] + np.uint32(i + 1)).astype(np.uint32)
    return x0, x1


def _compute_mask_np() -> np.ndarray:
    n = _B * _S
    b0, b1 = _threefry2x32_np(
        0, 42, np.zeros(n, dtype=np.uint32), np.arange(n, dtype=np.uint32))
    bits = b0 ^ b1
    u = ((bits >> np.uint32(9)) | np.uint32(0x3F800000)).view(np.float32)
    u = np.maximum(np.float32(0), u - np.float32(1.0))
    return (u >= _THRESH).reshape(_B, _S)


_MASK_NP = _compute_mask_np()


def _partition(idx: np.ndarray, chunk: int) -> np.ndarray:
    per = _NW * chunk
    n = len(idx)
    nchunks = max(1, -(-n // per))
    pad = nchunks * per - n
    idx = np.concatenate([idx, np.full(pad, idx[-1], dtype=idx.dtype)])
    return np.ascontiguousarray(idx.reshape(_NW, nchunks, chunk))


_MASK_FLAT = _MASK_NP.reshape(-1)
_KIDX_NP = _partition(np.nonzero(_MASK_FLAT)[0].astype(np.int32), _CK)
_ZIDX_NP = _partition(np.nonzero(~_MASK_FLAT)[0].astype(np.int32), _CZ)
_NCK = _KIDX_NP.shape[1]
_NCZ = _ZIDX_NP.shape[1]


def _sc_body(arr_ref, kidx_ref, zidx_ref, zeros_ref, out_ref,
             kidx_v, zidx_v, zbuf, buf0, buf1,
             gsem0, gsem1, ssem0, ssem1, zsem):
    wid = lax.axis_index("s") * _NC + lax.axis_index("c")
    pltpu.sync_copy(kidx_ref.at[wid], kidx_v)
    pltpu.sync_copy(zidx_ref.at[wid], zidx_v)
    pltpu.sync_copy(zeros_ref, zbuf)

    zpend = [
        pltpu.async_copy(zbuf, out_ref.at[zidx_v.at[j]], zsem)
        for j in range(_NCZ)
    ]

    bufs = (buf0, buf1)
    gsems = (gsem0, gsem1)
    ssems = (ssem0, ssem1)
    gpend = [None, None]
    spend = [None, None]
    gpend[0] = pltpu.async_copy(arr_ref.at[kidx_v.at[0]], bufs[0], gsems[0])
    for j in range(_NCK):
        b = j & 1
        gpend[b].wait()
        nxt = j + 1
        if nxt < _NCK:
            nb = nxt & 1
            if spend[nb] is not None:
                spend[nb].wait()
            gpend[nb] = pltpu.async_copy(
                arr_ref.at[kidx_v.at[nxt]], bufs[nb], gsems[nb])
        spend[b] = pltpu.async_copy(bufs[b], out_ref.at[kidx_v.at[j]], ssems[b])
    for d in spend:
        if d is not None:
            d.wait()
    for d in zpend:
        d.wait()


def _sc_call(x):
    mesh = plsc.VectorSubcoreMesh(
        core_axis_name="c", subcore_axis_name="s",
        num_cores=_NC, num_subcores=_NS)
    run = pl.kernel(
        _sc_body,
        out_type=jax.ShapeDtypeStruct((_ROWS, _F), jnp.float32),
        mesh=mesh,
        scratch_types=[
            pltpu.VMEM((_NCK, _CK), jnp.int32),
            pltpu.VMEM((_NCZ, _CZ), jnp.int32),
            pltpu.VMEM((_CZ, _F), jnp.float32),
            pltpu.VMEM((_CK, _F), jnp.float32),
            pltpu.VMEM((_CK, _F), jnp.float32),
            pltpu.SemaphoreType.DMA,
            pltpu.SemaphoreType.DMA,
            pltpu.SemaphoreType.DMA,
            pltpu.SemaphoreType.DMA,
            pltpu.SemaphoreType.DMA,
        ],
    )
    kidx = jnp.asarray(_KIDX_NP)
    zidx = jnp.asarray(_ZIDX_NP)
    zeros = jnp.zeros((_CZ, _F), jnp.float32)
    return run(x, kidx, zidx, zeros)


def kernel(arr):
    b, s, f = arr.shape
    out = _sc_call(arr.reshape(b * s, f))
    return out.reshape(b, s, f)

# --- scband reference (transcript-rebuilt; emitter-appended) ---
"""Pipeline reference for scband-patch-block-65120294142364 (READ-ONLY COPY).

The authoritative reference and input builder live on the scoring server;
editing this copy changes nothing except your own understanding.
"""

import jax, jax.numpy as jnp
import numpy as np

MISSING = 0.0
P = 0.5

def setup_inputs(seed: int = 0) -> dict:
    key = jax.random.key(seed)
    arr = jax.random.normal(key, (4, 4096, 1024), dtype=jnp.float32)
    return {"arr": arr}

def reference(arr):
    # Original torch module: with probability p, draw a per-(b,s) uniform mask
    # and overwrite positions where mask < 0.4 with the `missing` value.
    # For determinism we take the masking branch (rand < p assumed true) and
    # use a fixed PRNG key for the mask, matching the math of the branch.
    b, s, _ = arr.shape
    mkey = jax.random.key(42)
    mask = jax.random.uniform(mkey, (b, s), dtype=jnp.float32) >= 0.4
    out = jnp.where(mask[:, :, None], arr, jnp.asarray(MISSING, dtype=arr.dtype))
    return out

if __name__ == "__main__":
    import jax
    _d = setup_inputs()
    print(jax.jit(kernel)(*tuple(_d.values())))

</pallas_src>

<mosaic_0001>
#map = affine_map<(d0, d1) -> (0, 0)>
#map1 = affine_map<(d0, d1) -> (0, 0, 0)>
module attributes {stable_mosaic.version = 14 : i64} {
  func.func @_sc_body(%arg0: i32, %arg1: i32, %arg2: memref<16384x1024xf32, #tpu.memory_space<hbm>>, %arg3: memref<32x10x32xi32, #tpu.memory_space<hbm>>, %arg4: memref<32x7x32xi32, #tpu.memory_space<hbm>>, %arg5: memref<32x1024xf32, #tpu.memory_space<hbm>>, %arg6: memref<16384x1024xf32, #tpu.memory_space<hbm>>, %arg7: memref<10x32xi32, #tpu.memory_space<vmem>>, %arg8: memref<7x32xi32, #tpu.memory_space<vmem>>, %arg9: memref<32x1024xf32, #tpu.memory_space<vmem>>, %arg10: memref<32x1024xf32, #tpu.memory_space<vmem>>, %arg11: memref<32x1024xf32, #tpu.memory_space<vmem>>, %arg12: memref<!tpu.dma_semaphore, #tpu.memory_space<semaphore_mem>>, %arg13: memref<!tpu.dma_semaphore, #tpu.memory_space<semaphore_mem>>, %arg14: memref<!tpu.dma_semaphore, #tpu.memory_space<semaphore_mem>>, %arg15: memref<!tpu.dma_semaphore, #tpu.memory_space<semaphore_mem>>, %arg16: memref<!tpu.dma_semaphore, #tpu.memory_space<semaphore_mem>>) attributes {dimension_semantics = [#tpu.dimension_semantics<core_parallel>, #tpu.dimension_semantics<subcore_parallel>], iteration_bounds = array<i64: 2, 16>, scalar_prefetch = 0 : i64, scratch_operands = 10 : i64, tpu.core_type = #tpu.core_type<sc_vector_subcore>, window_params = [{transform_indices = #map}, {transform_indices = #map1}, {transform_indices = #map1}, {transform_indices = #map}, {transform_indices = #map}]} {
    %mul3A = arith.constant 2 : i32
    %mul3A_0 = arith.muli %arg1, %mul3A : i32
    %add3A = arith.addi %mul3A_0, %arg0 : i32
    "tpu.region"() ({
      %run_scoped3A = tpu.sem_alloc : memref<!tpu.dma_semaphore, #tpu.memory_space<semaphore_mem>>
      %dma_start3A_377 = arith.constant 0 : i32
      %dma_start3A_378 = arith.constant 0 : i32
      %dma_start3A_379 = tpu.memref_slice %arg3[%add3A, %dma_start3A_377, %dma_start3A_378] : memref<32x10x32xi32, #tpu.memory_space<hbm>> -> memref<1x10x32xi32, #tpu.memory_space<hbm>>
      %dma_start3A_380 = tpu.memref_squeeze %dma_start3A_379 : memref<1x10x32xi32, #tpu.memory_space<hbm>> -> memref<10x32xi32, #tpu.memory_space<hbm>>
      %dma_start3A_381 = arith.constant 0 : i32
      %dma_start3A_382 = arith.constant 0 : i32
      %dma_start3A_383 = tpu.memref_slice %arg3[%add3A, %dma_start3A_381, %dma_start3A_382] : memref<32x10x32xi32, #tpu.memory_space<hbm>> -> memref<1x10x32xi32, #tpu.memory_space<hbm>>
      %dma_start3A_384 = tpu.memref_squeeze %dma_start3A_383 : memref<1x10x32xi32, #tpu.memory_space<hbm>> -> memref<10x32xi32, #tpu.memory_space<hbm>>
      tpu.enqueue_dma source(%dma_start3A_384 : memref<10x32xi32, #tpu.memory_space<hbm>>) target(%arg7 : memref<10x32xi32, #tpu.memory_space<vmem>>) target_semaphore(%run_scoped3A : memref<!tpu.dma_semaphore, #tpu.memory_space<semaphore_mem>>)
      %dma_wait3A_385 = arith.constant 0 : i32
      %dma_wait3A_386 = arith.constant 0 : i32
      %dma_wait3A_387 = tpu.memref_slice %arg3[%add3A, %dma_wait3A_385, %dma_wait3A_386] : memref<32x10x32xi32, #tpu.memory_space<hbm>> -> memref<1x10x32xi32, #tpu.memory_space<hbm>>
      %dma_wait3A_388 = tpu.memref_squeeze %dma_wait3A_387 : memref<1x10x32xi32, #tpu.memory_space<hbm>> -> memref<10x32xi32, #tpu.memory_space<hbm>>
      %dma_wait3A_389 = arith.constant 0 : i32
      %dma_wait3A_390 = arith.constant 0 : i32
      %dma_wait3A_391 = tpu.memref_slice %arg3[%add3A, %dma_wait3A_389, %dma_wait3A_390] : memref<32x10x32xi32, #tpu.memory_space<hbm>> -> memref<1x10x32xi32, #tpu.memory_space<hbm>>
      %dma_wait3A_392 = tpu.memref_squeeze %dma_wait3A_391 : memref<1x10x32xi32, #tpu.memory_space<hbm>> -> memref<10x32xi32, #tpu.memory_space<hbm>>
      tpu.wait_dma2 semaphore(%run_scoped3A : memref<!tpu.dma_semaphore, #tpu.memory_space<semaphore_mem>>) src(%dma_wait3A_392 : memref<10x32xi32, #tpu.memory_space<hbm>>) dst(%arg7 : memref<10x32xi32, #tpu.memory_space<vmem>>)
      tpu.yield
    }) : () -> ()
    "tpu.region"() ({
      %run_scoped3A = tpu.sem_alloc : memref<!tpu.dma_semaphore, #tpu.memory_space<semaphore_mem>>
      %dma_start3A_377 = arith.constant 0 : i32
      %dma_start3A_378 = arith.constant 0 : i32
      %dma_start3A_379 = tpu.memref_slice %arg4[%add3A, %dma_start3A_377, %dma_start3A_378] : memref<32x7x32xi32, #tpu.memory_space<hbm>> -> memref<1x7x32xi32, #tpu.memory_space<hbm>>
      %dma_start3A_380 = tpu.memref_squeeze %dma_start3A_379 : memref<1x7x32xi32, #tpu.memory_space<hbm>> -> memref<7x32xi32, #tpu.memory_space<hbm>>
      %dma_start3A_381 = arith.constant 0 : i32
      %dma_start3A_382 = arith.constant 0 : i32
      %dma_start3A_383 = tpu.memref_slice %arg4[%add3A, %dma_start3A_381, %dma_start3A_382] : memref<32x7x32xi32, #tpu.memory_space<hbm>> -> memref<1x7x32xi32, #tpu.memory_space<hbm>>
      %dma_start3A_384 = tpu.memref_squeeze %dma_start3A_383 : memref<1x7x32xi32, #tpu.memory_space<hbm>> -> memref<7x32xi32, #tpu.memory_space<hbm>>
      tpu.enqueue_dma source(%dma_start3A_384 : memref<7x32xi32, #tpu.memory_space<hbm>>) target(%arg8 : memref<7x32xi32, #tpu.memory_space<vmem>>) target_semaphore(%run_scoped3A : memref<!tpu.dma_semaphore, #tpu.memory_space<semaphore_mem>>)
      %dma_wait3A_385 = arith.constant 0 : i32
      %dma_wait3A_386 = arith.constant 0 : i32
      %dma_wait3A_387 = tpu.memref_slice %arg4[%add3A, %dma_wait3A_385, %dma_wait3A_386] : memref<32x7x32xi32, #tpu.memory_space<hbm>> -> memref<1x7x32xi32, #tpu.memory_space<hbm>>
      %dma_wait3A_388 = tpu.memref_squeeze %dma_wait3A_387 : memref<1x7x32xi32, #tpu.memory_space<hbm>> -> memref<7x32xi32, #tpu.memory_space<hbm>>
      %dma_wait3A_389 = arith.constant 0 : i32
      %dma_wait3A_390 = arith.constant 0 : i32
      %dma_wait3A_391 = tpu.memref_slice %arg4[%add3A, %dma_wait3A_389, %dma_wait3A_390] : memref<32x7x32xi32, #tpu.memory_space<hbm>> -> memref<1x7x32xi32, #tpu.memory_space<hbm>>
      %dma_wait3A_392 = tpu.memref_squeeze %dma_wait3A_391 : memref<1x7x32xi32, #tpu.memory_space<hbm>> -> memref<7x32xi32, #tpu.memory_space<hbm>>
      tpu.wait_dma2 semaphore(%run_scoped3A : memref<!tpu.dma_semaphore, #tpu.memory_space<semaphore_mem>>) src(%dma_wait3A_392 : memref<7x32xi32, #tpu.memory_space<hbm>>) dst(%arg8 : memref<7x32xi32, #tpu.memory_space<vmem>>)
      tpu.yield
    }) : () -> ()
    "tpu.region"() ({
      %run_scoped3A = tpu.sem_alloc : memref<!tpu.dma_semaphore, #tpu.memory_space<semaphore_mem>>
      tpu.enqueue_dma source(%arg5 : memref<32x1024xf32, #tpu.memory_space<hbm>>) target(%arg9 : memref<32x1024xf32, #tpu.memory_space<vmem>>) target_semaphore(%run_scoped3A : memref<!tpu.dma_semaphore, #tpu.memory_space<semaphore_mem>>)
      tpu.wait_dma2 semaphore(%run_scoped3A : memref<!tpu.dma_semaphore, #tpu.memory_space<semaphore_mem>>) src(%arg5 : memref<32x1024xf32, #tpu.memory_space<hbm>>) dst(%arg9 : memref<32x1024xf32, #tpu.memory_space<vmem>>)
      tpu.yield
    }) : () -> ()
    %dma_start3A = arith.constant 0 : i32
    %dma_start3A_1 = arith.constant 0 : i32
    %dma_start3A_2 = tpu.memref_slice %arg8[%dma_start3A, %dma_start3A_1] : memref<7x32xi32, #tpu.memory_space<vmem>> -> memref<1x32xi32, #tpu.memory_space<vmem>>
    %dma_start3A_3 = tpu.memref_squeeze %dma_start3A_2 : memref<1x32xi32, #tpu.memory_space<vmem>> -> memref<32xi32, #tpu.memory_space<vmem>>
    %dma_start3A_4 = arith.constant 0 : i32
    %dma_start3A_5 = arith.constant 0 : i32
    %dma_start3A_6 = tpu.memref_slice %arg6[%dma_start3A_4, %dma_start3A_5] : memref<16384x1024xf32, #tpu.memory_space<hbm>> -> memref<16384x1024xf32, #tpu.memory_space<hbm>>
    tpu.enqueue_indirect_dma source(%arg9 : memref<32x1024xf32, #tpu.memory_space<vmem>>) target(%dma_start3A_6 : memref<16384x1024xf32, #tpu.memory_space<hbm>>) offsets(%dma_start3A_3 : memref<32xi32, #tpu.memory_space<vmem>>) semaphore(%arg16 : memref<!tpu.dma_semaphore, #tpu.memory_space<semaphore_mem>>)
    %dma_start3A_7 = arith.constant 1 : i32
    %dma_start3A_8 = arith.constant 0 : i32
    %dma_start3A_9 = tpu.memref_slice %arg8[%dma_start3A_7, %dma_start3A_8] : memref<7x32xi32, #tpu.memory_space<vmem>> -> memref<1x32xi32, #tpu.memory_space<vmem>>
    %dma_start3A_10 = tpu.memref_squeeze %dma_start3A_9 : memref<1x32xi32, #tpu.memory_space<vmem>> -> memref<32xi32, #tpu.memory_space<vmem>>
    %dma_start3A_11 = arith.constant 0 : i32
    %dma_start3A_12 = arith.constant 0 : i32
    %dma_start3A_13 = tpu.memref_slice %arg6[%dma_start3A_11, %dma_start3A_12] : memref<16384x1024xf32, #tpu.memory_space<hbm>> -> memref<16384x1024xf32, #tpu.memory_space<hbm>>
    tpu.enqueue_indirect_dma source(%arg9 : memref<32x1024xf32, #tpu.memory_space<vmem>>) target(%dma_start3A_13 : memref<16384x1024xf32, #tpu.memory_space<hbm>>) offsets(%dma_start3A_10 : memref<32xi32, #tpu.memory_space<vmem>>) semaphore(%arg16 : memref<!tpu.dma_semaphore, #tpu.memory_space<semaphore_mem>>)
    %dma_start3A_14 = arith.constant 2 : i32
    %dma_start3A_15 = arith.constant 0 : i32
    %dma_start3A_16 = tpu.memref_slice %arg8[%dma_start3A_14, %dma_start3A_15] : memref<7x32xi32, #tpu.memory_space<vmem>> -> memref<1x32xi32, #tpu.memory_space<vmem>>
    %dma_start3A_17 = tpu.memref_squeeze %dma_start3A_16 : memref<1x32xi32, #tpu.memory_space<vmem>> -> memref<32xi32, #tpu.memory_space<vmem>>
    %dma_start3A_18 = arith.constant 0 : i32
    %dma_start3A_19 = arith.constant 0 : i32
    %dma_start3A_20 = tpu.memref_slice %arg6[%dma_start3A_18, %dma_start3A_19] : memref<16384x1024xf32, #tpu.memory_space<hbm>> -> memref<16384x1024xf32, #tpu.memory_space<hbm>>
    tpu.enqueue_indirect_dma source(%arg9 : memref<32x1024xf32, #tpu.memory_space<vmem>>) target(%dma_start3A_20 : memref<16384x1024xf32, #tpu.memory_space<hbm>>) offsets(%dma_start3A_17 : memref<32xi32, #tpu.memory_space<vmem>>) semaphore(%arg16 : memref<!tpu.dma_semaphore, #tpu.memory_space<semaphore_mem>>)
    %dma_start3A_21 = arith.constant 3 : i32
    %dma_start3A_22 = arith.constant 0 : i32
    %dma_start3A_23 = tpu.memref_slice %arg8[%dma_start3A_21, %dma_start3A_22] : memref<7x32xi32, #tpu.memory_space<vmem>> -> memref<1x32xi32, #tpu.memory_space<vmem>>
    %dma_start3A_24 = tpu.memref_squeeze %dma_start3A_23 : memref<1x32xi32, #tpu.memory_space<vmem>> -> memref<32xi32, #tpu.memory_space<vmem>>
    %dma_start3A_25 = arith.constant 0 : i32
    %dma_start3A_26 = arith.constant 0 : i32
    %dma_start3A_27 = tpu.memref_slice %arg6[%dma_start3A_25, %dma_start3A_26] : memref<16384x1024xf32, #tpu.memory_space<hbm>> -> memref<16384x1024xf32, #tpu.memory_space<hbm>>
    tpu.enqueue_indirect_dma source(%arg9 : memref<32x1024xf32, #tpu.memory_space<vmem>>) target(%dma_start3A_27 : memref<16384x1024xf32, #tpu.memory_space<hbm>>) offsets(%dma_start3A_24 : memref<32xi32, #tpu.memory_space<vmem>>) semaphore(%arg16 : memref<!tpu.dma_semaphore, #tpu.memory_space<semaphore_mem>>)
    %dma_start3A_28 = arith.constant 4 : i32
    %dma_start3A_29 = arith.constant 0 : i32
    %dma_start3A_30 = tpu.memref_slice %arg8[%dma_start3A_28, %dma_start3A_29] : memref<7x32xi32, #tpu.memory_space<vmem>> -> memref<1x32xi32, #tpu.memory_space<vmem>>
    %dma_start3A_31 = tpu.memref_squeeze %dma_start3A_30 : memref<1x32xi32, #tpu.memory_space<vmem>> -> memref<32xi32, #tpu.memory_space<vmem>>
    %dma_start3A_32 = arith.constant 0 : i32
    %dma_start3A_33 = arith.constant 0 : i32
    %dma_start3A_34 = tpu.memref_slice %arg6[%dma_start3A_32, %dma_start3A_33] : memref<16384x1024xf32, #tpu.memory_space<hbm>> -> memref<16384x1024xf32, #tpu.memory_space<hbm>>
    tpu.enqueue_indirect_dma source(%arg9 : memref<32x1024xf32, #tpu.memory_space<vmem>>) target(%dma_start3A_34 : memref<16384x1024xf32, #tpu.memory_space<hbm>>) offsets(%dma_start3A_31 : memref<32xi32, #tpu.memory_space<vmem>>) semaphore(%arg16 : memref<!tpu.dma_semaphore, #tpu.memory_space<semaphore_mem>>)
    %dma_start3A_35 = arith.constant 5 : i32
    %dma_start3A_36 = arith.constant 0 : i32
    %dma_start3A_37 = tpu.memref_slice %arg8[%dma_start3A_35, %dma_start3A_36] : memref<7x32xi32, #tpu.memory_space<vmem>> -> memref<1x32xi32, #tpu.memory_space<vmem>>
    %dma_start3A_38 = tpu.memref_squeeze %dma_start3A_37 : memref<1x32xi32, #tpu.memory_space<vmem>> -> memref<32xi32, #tpu.memory_space<vmem>>
    %dma_start3A_39 = arith.constant 0 : i32
    %dma_start3A_40 = arith.constant 0 : i32
    %dma_start3A_41 = tpu.memref_slice %arg6[%dma_start3A_39, %dma_start3A_40] : memref<16384x1024xf32, #tpu.memory_space<hbm>> -> memref<16384x1024xf32, #tpu.memory_space<hbm>>
    tpu.enqueue_indirect_dma source(%arg9 : memref<32x1024xf32, #tpu.memory_space<vmem>>) target(%dma_start3A_41 : memref<16384x1024xf32, #tpu.memory_space<hbm>>) offsets(%dma_start3A_38 : memref<32xi32, #tpu.memory_space<vmem>>) semaphore(%arg16 : memref<!tpu.dma_semaphore, #tpu.memory_space<semaphore_mem>>)
    %dma_start3A_42 = arith.constant 6 : i32
    %dma_start3A_43 = arith.constant 0 : i32
    %dma_start3A_44 = tpu.memref_slice %arg8[%dma_start3A_42, %dma_start3A_43] : memref<7x32xi32, #tpu.memory_space<vmem>> -> memref<1x32xi32, #tpu.memory_space<vmem>>
    %dma_start3A_45 = tpu.memref_squeeze %dma_start3A_44 : memref<1x32xi32, #tpu.memory_space<vmem>> -> memref<32xi32, #tpu.memory_space<vmem>>
    %dma_start3A_46 = arith.constant 0 : i32
    %dma_start3A_47 = arith.constant 0 : i32
    %dma_start3A_48 = tpu.memref_slice %arg6[%dma_start3A_46, %dma_start3A_47] : memref<16384x1024xf32, #tpu.memory_space<hbm>> -> memref<16384x1024xf32, #tpu.memory_space<hbm>>
    tpu.enqueue_indirect_dma source(%arg9 : memref<32x1024xf32, #tpu.memory_space<vmem>>) target(%dma_start3A_48 : memref<16384x1024xf32, #tpu.memory_space<hbm>>) offsets(%dma_start3A_45 : memref<32xi32, #tpu.memory_space<vmem>>) semaphore(%arg16 : memref<!tpu.dma_semaphore, #tpu.memory_space<semaphore_mem>>)
    %dma_start3A_49 = arith.constant 0 : i32
    %dma_start3A_50 = arith.constant 0 : i32
    %dma_start3A_51 = tpu.memref_slice %arg7[%dma_start3A_49, %dma_start3A_50] : memref<10x32xi32, #tpu.memory_space<vmem>> -> memref<1x32xi32, #tpu.memory_space<vmem>>
    %dma_start3A_52 = tpu.memref_squeeze %dma_start3A_51 : memref<1x32xi32, #tpu.memory_space<vmem>> -> memref<32xi32, #tpu.memory_space<vmem>>
    %dma_start3A_53 = arith.constant 0 : i32
    %dma_start3A_54 = arith.constant 0 : i32
    %dma_start3A_55 = tpu.memref_slice %arg2[%dma_start3A_53, %dma_start3A_54] : memref<16384x1024xf32, #tpu.memory_space<hbm>> -> memref<16384x1024xf32, #tpu.memory_space<hbm>>
    tpu.enqueue_indirect_dma source(%dma_start3A_55 : memref<16384x1024xf32, #tpu.memory_space<hbm>>) target(%arg10 : memref<32x1024xf32, #tpu.memory_space<vmem>>) offsets(%dma_start3A_52 : memref<32xi32, #tpu.memory_space<vmem>>) semaphore(%arg12 : memref<!tpu.dma_semaphore, #tpu.memory_space<semaphore_mem>>)
    %dma_wait3A = arith.constant 0 : i32
    %dma_wait3A_56 = arith.constant 0 : i32
    %dma_wait3A_57 = tpu.memref_slice %arg7[%dma_wait3A, %dma_wait3A_56] : memref<10x32xi32, #tpu.memory_space<vmem>> -> memref<1x32xi32, #tpu.memory_space<vmem>>
    %dma_wait3A_58 = tpu.memref_squeeze %dma_wait3A_57 : memref<1x32xi32, #tpu.memory_space<vmem>> -> memref<32xi32, #tpu.memory_space<vmem>>
    %dma_wait3A_59 = arith.constant 0 : i32
    %dma_wait3A_60 = arith.constant 0 : i32
    %dma_wait3A_61 = tpu.memref_slice %arg2[%dma_wait3A_59, %dma_wait3A_60] : memref<16384x1024xf32, #tpu.memory_space<hbm>> -> memref<16384x1024xf32, #tpu.memory_space<hbm>>
    tpu.wait_indirect_dma semaphore(%arg12 : memref<!tpu.dma_semaphore, #tpu.memory_space<semaphore_mem>>) src(%dma_wait3A_61 : memref<16384x1024xf32, #tpu.memory_space<hbm>>) dst(%arg10 : memref<32x1024xf32, #tpu.memory_space<vmem>>)
    %dma_start3A_62 = arith.constant 1 : i32
    %dma_start3A_63 = arith.constant 0 : i32
    %dma_start3A_64 = tpu.memref_slice %arg7[%dma_start3A_62, %dma_start3A_63] : memref<10x32xi32, #tpu.memory_space<vmem>> -> memref<1x32xi32, #tpu.memory_space<vmem>>
    %dma_start3A_65 = tpu.memref_squeeze %dma_start3A_64 : memref<1x32xi32, #tpu.memory_space<vmem>> -> memref<32xi32, #tpu.memory_space<vmem>>
    %dma_start3A_66 = arith.constant 0 : i32
    %dma_start3A_67 = arith.constant 0 : i32
    %dma_start3A_68 = tpu.memref_slice %arg2[%dma_start3A_66, %dma_start3A_67] : memref<16384x1024xf32, #tpu.memory_space<hbm>> -> memref<16384x1024xf32, #tpu.memory_space<hbm>>
    tpu.enqueue_indirect_dma source(%dma_start3A_68 : memref<16384x1024xf32, #tpu.memory_space<hbm>>) target(%arg11 : memref<32x1024xf32, #tpu.memory_space<vmem>>) offsets(%dma_start3A_65 : memref<32xi32, #tpu.memory_space<vmem>>) semaphore(%arg13 : memref<!tpu.dma_semaphore, #tpu.memory_space<semaphore_mem>>)
    %dma_start3A_69 = arith.constant 0 : i32
    %dma_start3A_70 = arith.constant 0 : i32
    %dma_start3A_71 = tpu.memref_slice %arg7[%dma_start3A_69, %dma_start3A_70] : memref<10x32xi32, #tpu.memory_space<vmem>> -> memref<1x32xi32, #tpu.memory_space<vmem>>
    %dma_start3A_72 = tpu.memref_squeeze %dma_start3A_71 : memref<1x32xi32, #tpu.memory_space<vmem>> -> memref<32xi32, #tpu.memory_space<vmem>>
    %dma_start3A_73 = arith.constant 0 : i32
    %dma_start3A_74 = arith.constant 0 : i32
    %dma_start3A_75 = tpu.memref_slice %arg6[%dma_start3A_73, %dma_start3A_74] : memref<16384x1024xf32, #tpu.memory_space<hbm>> -> memref<16384x1024xf32, #tpu.memory_space<hbm>>
    tpu.enqueue_indirect_dma source(%arg10 : memref<32x1024xf32, #tpu.memory_space<vmem>>) target(%dma_start3A_75 : memref<16384x1024xf32, #tpu.memory_space<hbm>>) offsets(%dma_start3A_72 : memref<32xi32, #tpu.memory_space<vmem>>) semaphore(%arg14 : memref<!tpu.dma_semaphore, #tpu.memory_space<semaphore_mem>>)
    %dma_wait3A_76 = arith.constant 1 : i32
    %dma_wait3A_77 = arith.constant 0 : i32
    %dma_wait3A_78 = tpu.memref_slice %arg7[%dma_wait3A_76, %dma_wait3A_77] : memref<10x32xi32, #tpu.memory_space<vmem>> -> memref<1x32xi32, #tpu.memory_space<vmem>>
    %dma_wait3A_79 = tpu.memref_squeeze %dma_wait3A_78 : memref<1x32xi32, #tpu.memory_space<vmem>> -> memref<32xi32, #tpu.memory_space<vmem>>
    %dma_wait3A_80 = arith.constant 0 : i32
    %dma_wait3A_81 = arith.constant 0 : i32
    %dma_wait3A_82 = tpu.memref_slice %arg2[%dma_wait3A_80, %dma_wait3A_81] : memref<16384x1024xf32, #tpu.memory_space<hbm>> -> memref<16384x1024xf32, #tpu.memory_space<hbm>>
    tpu.wait_indirect_dma semaphore(%arg13 : memref<!tpu.dma_semaphore, #tpu.memory_space<semaphore_mem>>) src(%dma_wait3A_82 : memref<16384x1024xf32, #tpu.memory_space<hbm>>) dst(%arg11 : memref<32x1024xf32, #tpu.memory_space<vmem>>)
    %dma_wait3A_83 = arith.constant 0 : i32
    %dma_wait3A_84 = arith.constant 0 : i32
    %dma_wait3A_85 = tpu.memref_slice %arg7[%dma_wait3A_83, %dma_wait3A_84] : memref<10x32xi32, #tpu.memory_space<vmem>> -> memref<1x32xi32, #tpu.memory_space<vmem>>
    %dma_wait3A_86 = tpu.memref_squeeze %dma_wait3A_85 : memref<1x32xi32, #tpu.memory_space<vmem>> -> memref<32xi32, #tpu.memory_space<vmem>>
    %dma_wait3A_87 = arith.constant 0 : i32
    %dma_wait3A_88 = arith.constant 0 : i32
    %dma_wait3A_89 = tpu.memref_slice %arg6[%dma_wait3A_87, %dma_wait3A_88] : memref<16384x1024xf32, #tpu.memory_space<hbm>> -> memref<16384x1024xf32, #tpu.memory_space<hbm>>
    tpu.wait_indirect_dma semaphore(%arg14 : memref<!tpu.dma_semaphore, #tpu.memory_space<semaphore_mem>>) src(%arg10 : memref<32x1024xf32, #tpu.memory_space<vmem>>) dst(%dma_wait3A_89 : memref<16384x1024xf32, #tpu.memory_space<hbm>>)
    %dma_start3A_90 = arith.constant 2 : i32
    %dma_start3A_91 = arith.constant 0 : i32
    %dma_start3A_92 = tpu.memref_slice %arg7[%dma_start3A_90, %dma_start3A_91] : memref<10x32xi32, #tpu.memory_space<vmem>> -> memref<1x32xi32, #tpu.memory_space<vmem>>
    %dma_start3A_93 = tpu.memref_squeeze %dma_start3A_92 : memref<1x32xi32, #tpu.memory_space<vmem>> -> memref<32xi32, #tpu.memory_space<vmem>>
    %dma_start3A_94 = arith.constant 0 : i32
    %dma_start3A_95 = arith.constant 0 : i32
    %dma_start3A_96 = tpu.memref_slice %arg2[%dma_start3A_94, %dma_start3A_95] : memref<16384x1024xf32, #tpu.memory_space<hbm>> -> memref<16384x1024xf32, #tpu.memory_space<hbm>>
    tpu.enqueue_indirect_dma source(%dma_start3A_96 : memref<16384x1024xf32, #tpu.memory_space<hbm>>) target(%arg10 : memref<32x1024xf32, #tpu.memory_space<vmem>>) offsets(%dma_start3A_93 : memref<32xi32, #tpu.memory_space<vmem>>) semaphore(%arg12 : memref<!tpu.dma_semaphore, #tpu.memory_space<semaphore_mem>>)
    %dma_start3A_97 = arith.constant 1 : i32
    %dma_start3A_98 = arith.constant 0 : i32
    %dma_start3A_99 = tpu.memref_slice %arg7[%dma_start3A_97, %dma_start3A_98] : memref<10x32xi32, #tpu.memory_space<vmem>> -> memref<1x32xi32, #tpu.memory_space<vmem>>
    %dma_start3A_100 = tpu.memref_squeeze %dma_start3A_99 : memref<1x32xi32, #tpu.memory_space<vmem>> -> memref<32xi32, #tpu.memory_space<vmem>>
    %dma_start3A_101 = arith.constant 0 : i32
    %dma_start3A_102 = arith.constant 0 : i32
    %dma_start3A_103 = tpu.memref_slice %arg6[%dma_start3A_101, %dma_start3A_102] : memref<16384x1024xf32, #tpu.memory_space<hbm>> -> memref<16384x1024xf32, #tpu.memory_space<hbm>>
    tpu.enqueue_indirect_dma source(%arg11 : memref<32x1024xf32, #tpu.memory_space<vmem>>) target(%dma_start3A_103 : memref<16384x1024xf32, #tpu.memory_space<hbm>>) offsets(%dma_start3A_100 : memref<32xi32, #tpu.memory_space<vmem>>) semaphore(%arg15 : memref<!tpu.dma_semaphore, #tpu.memory_space<semaphore_mem>>)
    %dma_wait3A_104 = arith.constant 2 : i32
    %dma_wait3A_105 = arith.constant 0 : i32
    %dma_wait3A_106 = tpu.memref_slice %arg7[%dma_wait3A_104, %dma_wait3A_105] : memref<10x32xi32, #tpu.memory_space<vmem>> -> memref<1x32xi32, #tpu.memory_space<vmem>>
    %dma_wait3A_107 = tpu.memref_squeeze %dma_wait3A_106 : memref<1x32xi32, #tpu.memory_space<vmem>> -> memref<32xi32, #tpu.memory_space<vmem>>
    %dma_wait3A_108 = arith.constant 0 : i32
    %dma_wait3A_109 = arith.constant 0 : i32
    %dma_wait3A_110 = tpu.memref_slice %arg2[%dma_wait3A_108, %dma_wait3A_109] : memref<16384x1024xf32, #tpu.memory_space<hbm>> -> memref<16384x1024xf32, #tpu.memory_space<hbm>>
    tpu.wait_indirect_dma semaphore(%arg12 : memref<!tpu.dma_semaphore, #tpu.memory_space<semaphore_mem>>) src(%dma_wait3A_110 : memref<16384x1024xf32, #tpu.memory_space<hbm>>) dst(%arg10 : memref<32x1024xf32, #tpu.memory_space<vmem>>)
    %dma_wait3A_111 = arith.constant 1 : i32
    %dma_wait3A_112 = arith.constant 0 : i32
    %dma_wait3A_113 = tpu.memref_slice %arg7[%dma_wait3A_111, %dma_wait3A_112] : memref<10x32xi32, #tpu.memory_space<vmem>> -> memref<1x32xi32, #tpu.memory_space<vmem>>
    %dma_wait3A_114 = tpu.memref_squeeze %dma_wait3A_113 : memref<1x32xi32, #tpu.memory_space<vmem>> -> memref<32xi32, #tpu.memory_space<vmem>>
    %dma_wait3A_115 = arith.constant 0 : i32
    %dma_wait3A_116 = arith.constant 0 : i32
    %dma_wait3A_117 = tpu.memref_slice %arg6[%dma_wait3A_115, %dma_wait3A_116] : memref<16384x1024xf32, #tpu.memory_space<hbm>> -> memref<16384x1024xf32, #tpu.memory_space<hbm>>
    tpu.wait_indirect_dma semaphore(%arg15 : memref<!tpu.dma_semaphore, #tpu.memory_space<semaphore_mem>>) src(%arg11 : memref<32x1024xf32, #tpu.memory_space<vmem>>) dst(%dma_wait3A_117 : memref<16384x1024xf32, #tpu.memory_space<hbm>>)
    %dma_start3A_118 = arith.constant 3 : i32
    %dma_start3A_119 = arith.constant 0 : i32
    %dma_start3A_120 = tpu.memref_slice %arg7[%dma_start3A_118, %dma_start3A_119] : memref<10x32xi32, #tpu.memory_space<vmem>> -> memref<1x32xi32, #tpu.memory_space<vmem>>
    %dma_start3A_121 = tpu.memref_squeeze %dma_start3A_120 : memref<1x32xi32, #tpu.memory_space<vmem>> -> memref<32xi32, #tpu.memory_space<vmem>>
    %dma_start3A_122 = arith.constant 0 : i32
    %dma_start3A_123 = arith.constant 0 : i32
    %dma_start3A_124 = tpu.memref_slice %arg2[%dma_start3A_122, %dma_start3A_123] : memref<16384x1024xf32, #tpu.memory_space<hbm>> -> memref<16384x1024xf32, #tpu.memory_space<hbm>>
    tpu.enqueue_indirect_dma source(%dma_start3A_124 : memref<16384x1024xf32, #tpu.memory_space<hbm>>) target(%arg11 : memref<32x1024xf32, #tpu.memory_space<vmem>>) offsets(%dma_start3A_121 : memref<32xi32, #tpu.memory_space<vmem>>) semaphore(%arg13 : memref<!tpu.dma_semaphore, #tpu.memory_space<semaphore_mem>>)
    %dma_start3A_125 = arith.constant 2 : i32
    %dma_start3A_126 = arith.constant 0 : i32
    %dma_start3A_127 = tpu.memref_slice %arg7[%dma_start3A_125, %dma_start3A_126] : memref<10x32xi32, #tpu.memory_space<vmem>> -> memref<1x32xi32, #tpu.memory_space<vmem>>
    %dma_start3A_128 = tpu.memref_squeeze %dma_start3A_127 : memref<1x32xi32, #tpu.memory_space<vmem>> -> memref<32xi32, #tpu.memory_space<vmem>>
    %dma_start3A_129 = arith.constant 0 : i32
    %dma_start3A_130 = arith.constant 0 : i32
    %dma_start3A_131 = tpu.memref_slice %arg6[%dma_start3A_129, %dma_start3A_130] : memref<16384x1024xf32, #tpu.memory_space<hbm>> -> memref<16384x1024xf32, #tpu.memory_space<hbm>>
    tpu.enqueue_indirect_dma source(%arg10 : memref<32x1024xf32, #tpu.memory_space<vmem>>) target(%dma_start3A_131 : memref<16384x1024xf32, #tpu.memory_space<hbm>>) offsets(%dma_start3A_128 : memref<32xi32, #tpu.memory_space<vmem>>) semaphore(%arg14 : memref<!tpu.dma_semaphore, #tpu.memory_space<semaphore_mem>>)
    %dma_wait3A_132 = arith.constant 3 : i32
    %dma_wait3A_133 = arith.constant 0 : i32
    %dma_wait3A_134 = tpu.memref_slice %arg7[%dma_wait3A_132, %dma_wait3A_133] : memref<10x32xi32, #tpu.memory_space<vmem>> -> memref<1x32xi32, #tpu.memory_space<vmem>>
    %dma_wait3A_135 = tpu.memref_squeeze %dma_wait3A_134 : memref<1x32xi32, #tpu.memory_space<vmem>> -> memref<32xi32, #tpu.memory_space<vmem>>
    %dma_wait3A_136 = arith.constant 0 : i32
    %dma_wait3A_137 = arith.constant 0 : i32
    %dma_wait3A_138 = tpu.memref_slice %arg2[%dma_wait3A_136, %dma_wait3A_137] : memref<16384x1024xf32, #tpu.memory_space<hbm>> -> memref<16384x1024xf32, #tpu.memory_space<hbm>>
    tpu.wait_indirect_dma semaphore(%arg13 : memref<!tpu.dma_semaphore, #tpu.memory_space<semaphore_mem>>) src(%dma_wait3A_138 : memref<16384x1024xf32, #tpu.memory_space<hbm>>) dst(%arg11 : memref<32x1024xf32, #tpu.memory_space<vmem>>)
    %dma_wait3A_139 = arith.constant 2 : i32
    %dma_wait3A_140 = arith.constant 0 : i32
    %dma_wait3A_141 = tpu.memref_slice %arg7[%dma_wait3A_139, %dma_wait3A_140] : memref<10x32xi32, #tpu.memory_space<vmem>> -> memref<1x32xi32, #tpu.memory_space<vmem>>
    %dma_wait3A_142 = tpu.memref_squeeze %dma_wait3A_141 : memref<1x32xi32, #tpu.memory_space<vmem>> -> memref<32xi32, #tpu.memory_space<vmem>>
    %dma_wait3A_143 = arith.constant 0 : i32
    %dma_wait3A_144 = arith.constant 0 : i32
    %dma_wait3A_145 = tpu.memref_slice %arg6[%dma_wait3A_143, %dma_wait3A_144] : memref<16384x1024xf32, #tpu.memory_space<hbm>> -> memref<16384x1024xf32, #tpu.memory_space<hbm>>
    tpu.wait_indirect_dma semaphore(%arg14 : memref<!tpu.dma_semaphore, #tpu.memory_space<semaphore_mem>>) src(%arg10 : memref<32x1024xf32, #tpu.memory_space<vmem>>) dst(%dma_wait3A_145 : memref<16384x1024xf32, #tpu.memory_space<hbm>>)
    %dma_start3A_146 = arith.constant 4 : i32
    %dma_start3A_147 = arith.constant 0 : i32
    %dma_start3A_148 = tpu.memref_slice %arg7[%dma_start3A_146, %dma_start3A_147] : memref<10x32xi32, #tpu.memory_space<vmem>> -> memref<1x32xi32, #tpu.memory_space<vmem>>
    %dma_start3A_149 = tpu.memref_squeeze %dma_start3A_148 : memref<1x32xi32, #tpu.memory_space<vmem>> -> memref<32xi32, #tpu.memory_space<vmem>>
    %dma_start3A_150 = arith.constant 0 : i32
    %dma_start3A_151 = arith.constant 0 : i32
    %dma_start3A_152 = tpu.memref_slice %arg2[%dma_start3A_150, %dma_start3A_151] : memref<16384x1024xf32, #tpu.memory_space<hbm>> -> memref<16384x1024xf32, #tpu.memory_space<hbm>>
    tpu.enqueue_indirect_dma source(%dma_start3A_152 : memref<16384x1024xf32, #tpu.memory_space<hbm>>) target(%arg10 : memref<32x1024xf32, #tpu.memory_space<vmem>>) offsets(%dma_start3A_149 : memref<32xi32, #tpu.memory_space<vmem>>) semaphore(%arg12 : memref<!tpu.dma_semaphore, #tpu.memory_space<semaphore_mem>>)
    %dma_start3A_153 = arith.constant 3 : i32
    %dma_start3A_154 = arith.constant 0 : i32
    %dma_start3A_155 = tpu.memref_slice %arg7[%dma_start3A_153, %dma_start3A_154] : memref<10x32xi32, #tpu.memory_space<vmem>> -> memref<1x32xi32, #tpu.memory_space<vmem>>
    %dma_start3A_156 = tpu.memref_squeeze %dma_start3A_155 : memref<1x32xi32, #tpu.memory_space<vmem>> -> memref<32xi32, #tpu.memory_space<vmem>>
    %dma_start3A_157 = arith.constant 0 : i32
    %dma_start3A_158 = arith.constant 0 : i32
    %dma_start3A_159 = tpu.memref_slice %arg6[%dma_start3A_157, %dma_start3A_158] : memref<16384x1024xf32, #tpu.memory_space<hbm>> -> memref<16384x1024xf32, #tpu.memory_space<hbm>>
    tpu.enqueue_indirect_dma source(%arg11 : memref<32x1024xf32, #tpu.memory_space<vmem>>) target(%dma_start3A_159 : memref<16384x1024xf32, #tpu.memory_space<hbm>>) offsets(%dma_start3A_156 : memref<32xi32, #tpu.memory_space<vmem>>) semaphore(%arg15 : memref<!tpu.dma_semaphore, #tpu.memory_space<semaphore_mem>>)
    %dma_wait3A_160 = arith.constant 4 : i32
    %dma_wait3A_161 = arith.constant 0 : i32
    %dma_wait3A_162 = tpu.memref_slice %arg7[%dma_wait3A_160, %dma_wait3A_161] : memref<10x32xi32, #tpu.memory_space<vmem>> -> memref<1x32xi32, #tpu.memory_space<vmem>>
    %dma_wait3A_163 = tpu.memref_squeeze %dma_wait3A_162 : memref<1x32xi32, #tpu.memory_space<vmem>> -> memref<32xi32, #tpu.memory_space<vmem>>
    %dma_wait3A_164 = arith.constant 0 : i32
    %dma_wait3A_165 = arith.constant 0 : i32
    %dma_wait3A_166 = tpu.memref_slice %arg2[%dma_wait3A_164, %dma_wait3A_165] : memref<16384x1024xf32, #tpu.memory_space<hbm>> -> memref<16384x1024xf32, #tpu.memory_space<hbm>>
    tpu.wait_indirect_dma semaphore(%arg12 : memref<!tpu.dma_semaphore, #tpu.memory_space<semaphore_mem>>) src(%dma_wait3A_166 : memref<16384x1024xf32, #tpu.memory_space<hbm>>) dst(%arg10 : memref<32x1024xf32, #tpu.memory_space<vmem>>)
    %dma_wait3A_167 = arith.constant 3 : i32
    %dma_wait3A_168 = arith.constant 0 : i32
    %dma_wait3A_169 = tpu.memref_slice %arg7[%dma_wait3A_167, %dma_wait3A_168] : memref<10x32xi32, #tpu.memory_space<vmem>> -> memref<1x32xi32, #tpu.memory_space<vmem>>
    %dma_wait3A_170 = tpu.memref_squeeze %dma_wait3A_169 : memref<1x32xi32, #tpu.memory_space<vmem>> -> memref<32xi32, #tpu.memory_space<vmem>>
    %dma_wait3A_171 = arith.constant 0 : i32
    %dma_wait3A_172 = arith.constant 0 : i32
    %dma_wait3A_173 = tpu.memref_slice %arg6[%dma_wait3A_171, %dma_wait3A_172] : memref<16384x1024xf32, #tpu.memory_space<hbm>> -> memref<16384x1024xf32, #tpu.memory_space<hbm>>
    tpu.wait_indirect_dma semaphore(%arg15 : memref<!tpu.dma_semaphore, #tpu.memory_space<semaphore_mem>>) src(%arg11 : memref<32x1024xf32, #tpu.memory_space<vmem>>) dst(%dma_wait3A_173 : memref<16384x1024xf32, #tpu.memory_space<hbm>>)
    %dma_start3A_174 = arith.constant 5 : i32
    %dma_start3A_175 = arith.constant 0 : i32
    %dma_start3A_176 = tpu.memref_slice %arg7[%dma_start3A_174, %dma_start3A_175] : memref<10x32xi32, #tpu.memory_space<vmem>> -> memref<1x32xi32, #tpu.memory_space<vmem>>
    %dma_start3A_177 = tpu.memref_squeeze %dma_start3A_176 : memref<1x32xi32, #tpu.memory_space<vmem>> -> memref<32xi32, #tpu.memory_space<vmem>>
    %dma_start3A_178 = arith.constant 0 : i32
    %dma_start3A_179 = arith.constant 0 : i32
    %dma_start3A_180 = tpu.memref_slice %arg2[%dma_start3A_178, %dma_start3A_179] : memref<16384x1024xf32, #tpu.memory_space<hbm>> -> memref<16384x1024xf32, #tpu.memory_space<hbm>>
    tpu.enqueue_indirect_dma source(%dma_start3A_180 : memref<16384x1024xf32, #tpu.memory_space<hbm>>) target(%arg11 : memref<32x1024xf32, #tpu.memory_space<vmem>>) offsets(%dma_start3A_177 : memref<32xi32, #tpu.memory_space<vmem>>) semaphore(%arg13 : memref<!tpu.dma_semaphore, #tpu.memory_space<semaphore_mem>>)
    %dma_start3A_181 = arith.constant 4 : i32
    %dma_start3A_182 = arith.constant 0 : i32
    %dma_start3A_183 = tpu.memref_slice %arg7[%dma_start3A_181, %dma_start3A_182] : memref<10x32xi32, #tpu.memory_space<vmem>> -> memref<1x32xi32, #tpu.memory_space<vmem>>
    %dma_start3A_184 = tpu.memref_squeeze %dma_start3A_183 : memref<1x32xi32, #tpu.memory_space<vmem>> -> memref<32xi32, #tpu.memory_space<vmem>>
    %dma_start3A_185 = arith.constant 0 : i32
    %dma_start3A_186 = arith.constant 0 : i32
    %dma_start3A_187 = tpu.memref_slice %arg6[%dma_start3A_185, %dma_start3A_186] : memref<16384x1024xf32, #tpu.memory_space<hbm>> -> memref<16384x1024xf32, #tpu.memory_space<hbm>>
    tpu.enqueue_indirect_dma source(%arg10 : memref<32x1024xf32, #tpu.memory_space<vmem>>) target(%dma_start3A_187 : memref<16384x1024xf32, #tpu.memory_space<hbm>>) offsets(%dma_start3A_184 : memref<32xi32, #tpu.memory_space<vmem>>) semaphore(%arg14 : memref<!tpu.dma_semaphore, #tpu.memory_space<semaphore_mem>>)
    %dma_wait3A_188 = arith.constant 5 : i32
    %dma_wait3A_189 = arith.constant 0 : i32
    %dma_wait3A_190 = tpu.memref_slice %arg7[%dma_wait3A_188, %dma_wait3A_189] : memref<10x32xi32, #tpu.memory_space<vmem>> -> memref<1x32xi32, #tpu.memory_space<vmem>>
    %dma_wait3A_191 = tpu.memref_squeeze %dma_wait3A_190 : memref<1x32xi32, #tpu.memory_space<vmem>> -> memref<32xi32, #tpu.memory_space<vmem>>
    %dma_wait3A_192 = arith.constant 0 : i32
    %dma_wait3A_193 = arith.constant 0 : i32
    %dma_wait3A_194 = tpu.memref_slice %arg2[%dma_wait3A_192, %dma_wait3A_193] : memref<16384x1024xf32, #tpu.memory_space<hbm>> -> memref<16384x1024xf32, #tpu.memory_space<hbm>>
    tpu.wait_indirect_dma semaphore(%arg13 : memref<!tpu.dma_semaphore, #tpu.memory_space<semaphore_mem>>) src(%dma_wait3A_194 : memref<16384x1024xf32, #tpu.memory_space<hbm>>) dst(%arg11 : memref<32x1024xf32, #tpu.memory_space<vmem>>)
    %dma_wait3A_195 = arith.constant 4 : i32
    %dma_wait3A_196 = arith.constant 0 : i32
    %dma_wait3A_197 = tpu.memref_slice %arg7[%dma_wait3A_195, %dma_wait3A_196] : memref<10x32xi32, #tpu.memory_space<vmem>> -> memref<1x32xi32, #tpu.memory_space<vmem>>
    %dma_wait3A_198 = tpu.memref_squeeze %dma_wait3A_197 : memref<1x32xi32, #tpu.memory_space<vmem>> -> memref<32xi32, #tpu.memory_space<vmem>>
    %dma_wait3A_199 = arith.constant 0 : i32
    %dma_wait3A_200 = arith.constant 0 : i32
    %dma_wait3A_201 = tpu.memref_slice %arg6[%dma_wait3A_199, %dma_wait3A_200] : memref<16384x1024xf32, #tpu.memory_space<hbm>> -> memref<16384x1024xf32, #tpu.memory_space<hbm>>
    tpu.wait_indirect_dma semaphore(%arg14 : memref<!tpu.dma_semaphore, #tpu.memory_space<semaphore_mem>>) src(%arg10 : memref<32x1024xf32, #tpu.memory_space<vmem>>) dst(%dma_wait3A_201 : memref<16384x1024xf32, #tpu.memory_space<hbm>>)
    %dma_start3A_202 = arith.constant 6 : i32
    %dma_start3A_203 = arith.constant 0 : i32
    %dma_start3A_204 = tpu.memref_slice %arg7[%dma_start3A_202, %dma_start3A_203] : memref<10x32xi32, #tpu.memory_space<vmem>> -> memref<1x32xi32, #tpu.memory_space<vmem>>
    %dma_start3A_205 = tpu.memref_squeeze %dma_start3A_204 : memref<1x32xi32, #tpu.memory_space<vmem>> -> memref<32xi32, #tpu.memory_space<vmem>>
    %dma_start3A_206 = arith.constant 0 : i32
    %dma_start3A_207 = arith.constant 0 : i32
    %dma_start3A_208 = tpu.memref_slice %arg2[%dma_start3A_206, %dma_start3A_207] : memref<16384x1024xf32, #tpu.memory_space<hbm>> -> memref<16384x1024xf32, #tpu.memory_space<hbm>>
    tpu.enqueue_indirect_dma source(%dma_start3A_208 : memref<16384x1024xf32, #tpu.memory_space<hbm>>) target(%arg10 : memref<32x1024xf32, #tpu.memory_space<vmem>>) offsets(%dma_start3A_205 : memref<32xi32, #tpu.memory_space<vmem>>) semaphore(%arg12 : memref<!tpu.dma_semaphore, #tpu.memory_space<semaphore_mem>>)
    %dma_start3A_209 = arith.constant 5 : i32
    %dma_start3A_210 = arith.constant 0 : i32
    %dma_start3A_211 = tpu.memref_slice %arg7[%dma_start3A_209, %dma_start3A_210] : memref<10x32xi32, #tpu.memory_space<vmem>> -> memref<1x32xi32, #tpu.memory_space<vmem>>
    %dma_start3A_212 = tpu.memref_squeeze %dma_start3A_211 : memref<1x32xi32, #tpu.memory_space<vmem>> -> memref<32xi32, #tpu.memory_space<vmem>>
    %dma_start3A_213 = arith.constant 0 : i32
    %dma_start3A_214 = arith.constant 0 : i32
    %dma_start3A_215 = tpu.memref_slice %arg6[%dma_start3A_213, %dma_start3A_214] : memref<16384x1024xf32, #tpu.memory_space<hbm>> -> memref<16384x1024xf32, #tpu.memory_space<hbm>>
    tpu.enqueue_indirect_dma source(%arg11 : memref<32x1024xf32, #tpu.memory_space<vmem>>) target(%dma_start3A_215 : memref<16384x1024xf32, #tpu.memory_space<hbm>>) offsets(%dma_start3A_212 : memref<32xi32, #tpu.memory_space<vmem>>) semaphore(%arg15 : memref<!tpu.dma_semaphore, #tpu.memory_space<semaphore_mem>>)
    %dma_wait3A_216 = arith.constant 6 : i32
    %dma_wait3A_217 = arith.constant 0 : i32
    %dma_wait3A_218 = tpu.memref_slice %arg7[%dma_wait3A_216, %dma_wait3A_217] : memref<10x32xi32, #tpu.memory_space<vmem>> -> memref<1x32xi32, #tpu.memory_space<vmem>>
    %dma_wait3A_219 = tpu.memref_squeeze %dma_wait3A_218 : memref<1x32xi32, #tpu.memory_space<vmem>> -> memref<32xi32, #tpu.memory_space<vmem>>
    %dma_wait3A_220 = arith.constant 0 : i32
    %dma_wait3A_221 = arith.constant 0 : i32
    %dma_wait3A_222 = tpu.memref_slice %arg2[%dma_wait3A_220, %dma_wait3A_221] : memref<16384x1024xf32, #tpu.memory_space<hbm>> -> memref<16384x1024xf32, #tpu.memory_space<hbm>>
    tpu.wait_indirect_dma semaphore(%arg12 : memref<!tpu.dma_semaphore, #tpu.memory_space<semaphore_mem>>) src(%dma_wait3A_222 : memref<16384x1024xf32, #tpu.memory_space<hbm>>) dst(%arg10 : memref<32x1024xf32, #tpu.memory_space<vmem>>)
    %dma_wait3A_223 = arith.constant 5 : i32
    %dma_wait3A_224 = arith.constant 0 : i32
    %dma_wait3A_225 = tpu.memref_slice %arg7[%dma_wait3A_223, %dma_wait3A_224] : memref<10x32xi32, #tpu.memory_space<vmem>> -> memref<1x32xi32, #tpu.memory_space<vmem>>
    %dma_wait3A_226 = tpu.memref_squeeze %dma_wait3A_225 : memref<1x32xi32, #tpu.memory_space<vmem>> -> memref<32xi32, #tpu.memory_space<vmem>>
    %dma_wait3A_227 = arith.constant 0 : i32
    %dma_wait3A_228 = arith.constant 0 : i32
    %dma_wait3A_229 = tpu.memref_slice %arg6[%dma_wait3A_227, %dma_wait3A_228] : memref<16384x1024xf32, #tpu.memory_space<hbm>> -> memref<16384x1024xf32, #tpu.memory_space<hbm>>
    tpu.wait_indirect_dma semaphore(%arg15 : memref<!tpu.dma_semaphore, #tpu.memory_space<semaphore_mem>>) src(%arg11 : memref<32x1024xf32, #tpu.memory_space<vmem>>) dst(%dma_wait3A_229 : memref<16384x1024xf32, #tpu.memory_space<hbm>>)
    %dma_start3A_230 = arith.constant 7 : i32
    %dma_start3A_231 = arith.constant 0 : i32
    %dma_start3A_232 = tpu.memref_slice %arg7[%dma_start3A_230, %dma_start3A_231] : memref<10x32xi32, #tpu.memory_space<vmem>> -> memref<1x32xi32, #tpu.memory_space<vmem>>
    %dma_start3A_233 = tpu.memref_squeeze %dma_start3A_232 : memref<1x32xi32, #tpu.memory_space<vmem>> -> memref<32xi32, #tpu.memory_space<vmem>>
    %dma_start3A_234 = arith.constant 0 : i32
    %dma_start3A_235 = arith.constant 0 : i32
    %dma_start3A_236 = tpu.memref_slice %arg2[%dma_start3A_234, %dma_start3A_235] : memref<16384x1024xf32, #tpu.memory_space<hbm>> -> memref<16384x1024xf32, #tpu.memory_space<hbm>>
    tpu.enqueue_indirect_dma source(%dma_start3A_236 : memref<16384x1024xf32, #tpu.memory_space<hbm>>) target(%arg11 : memref<32x1024xf32, #tpu.memory_space<vmem>>) offsets(%dma_start3A_233 : memref<32xi32, #tpu.memory_space<vmem>>) semaphore(%arg13 : memref<!tpu.dma_semaphore, #tpu.memory_space<semaphore_mem>>)
    %dma_start3A_237 = arith.constant 6 : i32
    %dma_start3A_238 = arith.constant 0 : i32
    %dma_start3A_239 = tpu.memref_slice %arg7[%dma_start3A_237, %dma_start3A_238] : memref<10x32xi32, #tpu.memory_space<vmem>> -> memref<1x32xi32, #tpu.memory_space<vmem>>
    %dma_start3A_240 = tpu.memref_squeeze %dma_start3A_239 : memref<1x32xi32, #tpu.memory_space<vmem>> -> memref<32xi32, #tpu.memory_space<vmem>>
    %dma_start3A_241 = arith.constant 0 : i32
    %dma_start3A_242 = arith.constant 0 : i32
    %dma_start3A_243 = tpu.memref_slice %arg6[%dma_start3A_241, %dma_start3A_242] : memref<16384x1024xf32, #tpu.memory_space<hbm>> -> memref<16384x1024xf32, #tpu.memory_space<hbm>>
    tpu.enqueue_indirect_dma source(%arg10 : memref<32x1024xf32, #tpu.memory_space<vmem>>) target(%dma_start3A_243 : memref<16384x1024xf32, #tpu.memory_space<hbm>>) offsets(%dma_start3A_240 : memref<32xi32, #tpu.memory_space<vmem>>) semaphore(%arg14 : memref<!tpu.dma_semaphore, #tpu.memory_space<semaphore_mem>>)
    %dma_wait3A_244 = arith.constant 7 : i32
    %dma_wait3A_245 = arith.constant 0 : i32
    %dma_wait3A_246 = tpu.memref_slice %arg7[%dma_wait3A_244, %dma_wait3A_245] : memref<10x32xi32, #tpu.memory_space<vmem>> -> memref<1x32xi32, #tpu.memory_space<vmem>>
    %dma_wait3A_247 = tpu.memref_squeeze %dma_wait3A_246 : memref<1x32xi32, #tpu.memory_space<vmem>> -> memref<32xi32, #tpu.memory_space<vmem>>
    %dma_wait3A_248 = arith.constant 0 : i32
    %dma_wait3A_249 = arith.constant 0 : i32
    %dma_wait3A_250 = tpu.memref_slice %arg2[%dma_wait3A_248, %dma_wait3A_249] : memref<16384x1024xf32, #tpu.memory_space<hbm>> -> memref<16384x1024xf32, #tpu.memory_space<hbm>>
    tpu.wait_indirect_dma semaphore(%arg13 : memref<!tpu.dma_semaphore, #tpu.memory_space<semaphore_mem>>) src(%dma_wait3A_250 : memref<16384x1024xf32, #tpu.memory_space<hbm>>) dst(%arg11 : memref<32x1024xf32, #tpu.memory_space<vmem>>)
    %dma_wait3A_251 = arith.constant 6 : i32
    %dma_wait3A_252 = arith.constant 0 : i32
    %dma_wait3A_253 = tpu.memref_slice %arg7[%dma_wait3A_251, %dma_wait3A_252] : memref<10x32xi32, #tpu.memory_space<vmem>> -> memref<1x32xi32, #tpu.memory_space<vmem>>
    %dma_wait3A_254 = tpu.memref_squeeze %dma_wait3A_253 : memref<1x32xi32, #tpu.memory_space<vmem>> -> memref<32xi32, #tpu.memory_space<vmem>>
    %dma_wait3A_255 = arith.constant 0 : i32
    %dma_wait3A_256 = arith.constant 0 : i32
    %dma_wait3A_257 = tpu.memref_slice %arg6[%dma_wait3A_255, %dma_wait3A_256] : memref<16384x1024xf32, #tpu.memory_space<hbm>> -> memref<16384x1024xf32, #tpu.memory_space<hbm>>
    tpu.wait_indirect_dma semaphore(%arg14 : memref<!tpu.dma_semaphore, #tpu.memory_space<semaphore_mem>>) src(%arg10 : memref<32x1024xf32, #tpu.memory_space<vmem>>) dst(%dma_wait3A_257 : memref<16384x1024xf32, #tpu.memory_space<hbm>>)
    %dma_start3A_258 = arith.constant 8 : i32
    %dma_start3A_259 = arith.constant 0 : i32
    %dma_start3A_260 = tpu.memref_slice %arg7[%dma_start3A_258, %dma_start3A_259] : memref<10x32xi32, #tpu.memory_space<vmem>> -> memref<1x32xi32, #tpu.memory_space<vmem>>
    %dma_start3A_261 = tpu.memref_squeeze %dma_start3A_260 : memref<1x32xi32, #tpu.memory_space<vmem>> -> memref<32xi32, #tpu.memory_space<vmem>>
    %dma_start3A_262 = arith.constant 0 : i32
    %dma_start3A_263 = arith.constant 0 : i32
    %dma_start3A_264 = tpu.memref_slice %arg2[%dma_start3A_262, %dma_start3A_263] : memref<16384x1024xf32, #tpu.memory_space<hbm>> -> memref<16384x1024xf32, #tpu.memory_space<hbm>>
    tpu.enqueue_indirect_dma source(%dma_start3A_264 : memref<16384x1024xf32, #tpu.memory_space<hbm>>) target(%arg10 : memref<32x1024xf32, #tpu.memory_space<vmem>>) offsets(%dma_start3A_261 : memref<32xi32, #tpu.memory_space<vmem>>) semaphore(%arg12 : memref<!tpu.dma_semaphore, #tpu.memory_space<semaphore_mem>>)
    %dma_start3A_265 = arith.constant 7 : i32
    %dma_start3A_266 = arith.constant 0 : i32
    %dma_start3A_267 = tpu.memref_slice %arg7[%dma_start3A_265, %dma_start3A_266] : memref<10x32xi32, #tpu.memory_space<vmem>> -> memref<1x32xi32, #tpu.memory_space<vmem>>
    %dma_start3A_268 = tpu.memref_squeeze %dma_start3A_267 : memref<1x32xi32, #tpu.memory_space<vmem>> -> memref<32xi32, #tpu.memory_space<vmem>>
    %dma_start3A_269 = arith.constant 0 : i32
    %dma_start3A_270 = arith.constant 0 : i32
    %dma_start3A_271 = tpu.memref_slice %arg6[%dma_start3A_269, %dma_start3A_270] : memref<16384x1024xf32, #tpu.memory_space<hbm>> -> memref<16384x1024xf32, #tpu.memory_space<hbm>>
    tpu.enqueue_indirect_dma source(%arg11 : memref<32x1024xf32, #tpu.memory_space<vmem>>) target(%dma_start3A_271 : memref<16384x1024xf32, #tpu.memory_space<hbm>>) offsets(%dma_start3A_268 : memref<32xi32, #tpu.memory_space<vmem>>) semaphore(%arg15 : memref<!tpu.dma_semaphore, #tpu.memory_space<semaphore_mem>>)
    %dma_wait3A_272 = arith.constant 8 : i32
    %dma_wait3A_273 = arith.constant 0 : i32
    %dma_wait3A_274 = tpu.memref_slice %arg7[%dma_wait3A_272, %dma_wait3A_273] : memref<10x32xi32, #tpu.memory_space<vmem>> -> memref<1x32xi32, #tpu.memory_space<vmem>>
    %dma_wait3A_275 = tpu.memref_squeeze %dma_wait3A_274 : memref<1x32xi32, #tpu.memory_space<vmem>> -> memref<32xi32, #tpu.memory_space<vmem>>
    %dma_wait3A_276 = arith.constant 0 : i32
    %dma_wait3A_277 = arith.constant 0 : i32
    %dma_wait3A_278 = tpu.memref_slice %arg2[%dma_wait3A_276, %dma_wait3A_277] : memref<16384x1024xf32, #tpu.memory_space<hbm>> -> memref<16384x1024xf32, #tpu.memory_space<hbm>>
    tpu.wait_indirect_dma semaphore(%arg12 : memref<!tpu.dma_semaphore, #tpu.memory_space<semaphore_mem>>) src(%dma_wait3A_278 : memref<16384x1024xf32, #tpu.memory_space<hbm>>) dst(%arg10 : memref<32x1024xf32, #tpu.memory_space<vmem>>)
    %dma_wait3A_279 = arith.constant 7 : i32
    %dma_wait3A_280 = arith.constant 0 : i32
    %dma_wait3A_281 = tpu.memref_slice %arg7[%dma_wait3A_279, %dma_wait3A_280] : memref<10x32xi32, #tpu.memory_space<vmem>> -> memref<1x32xi32, #tpu.memory_space<vmem>>
    %dma_wait3A_282 = tpu.memref_squeeze %dma_wait3A_281 : memref<1x32xi32, #tpu.memory_space<vmem>> -> memref<32xi32, #tpu.memory_space<vmem>>
    %dma_wait3A_283 = arith.constant 0 : i32
    %dma_wait3A_284 = arith.constant 0 : i32
    %dma_wait3A_285 = tpu.memref_slice %arg6[%dma_wait3A_283, %dma_wait3A_284] : memref<16384x1024xf32, #tpu.memory_space<hbm>> -> memref<16384x1024xf32, #tpu.memory_space<hbm>>
    tpu.wait_indirect_dma semaphore(%arg15 : memref<!tpu.dma_semaphore, #tpu.memory_space<semaphore_mem>>) src(%arg11 : memref<32x1024xf32, #tpu.memory_space<vmem>>) dst(%dma_wait3A_285 : memref<16384x1024xf32, #tpu.memory_space<hbm>>)
    %dma_start3A_286 = arith.constant 9 : i32
    %dma_start3A_287 = arith.constant 0 : i32
    %dma_start3A_288 = tpu.memref_slice %arg7[%dma_start3A_286, %dma_start3A_287] : memref<10x32xi32, #tpu.memory_space<vmem>> -> memref<1x32xi32, #tpu.memory_space<vmem>>
    %dma_start3A_289 = tpu.memref_squeeze %dma_start3A_288 : memref<1x32xi32, #tpu.memory_space<vmem>> -> memref<32xi32, #tpu.memory_space<vmem>>
    %dma_start3A_290 = arith.constant 0 : i32
    %dma_start3A_291 = arith.constant 0 : i32
    %dma_start3A_292 = tpu.memref_slice %arg2[%dma_start3A_290, %dma_start3A_291] : memref<16384x1024xf32, #tpu.memory_space<hbm>> -> memref<16384x1024xf32, #tpu.memory_space<hbm>>
    tpu.enqueue_indirect_dma source(%dma_start3A_292 : memref<16384x1024xf32, #tpu.memory_space<hbm>>) target(%arg11 : memref<32x1024xf32, #tpu.memory_space<vmem>>) offsets(%dma_start3A_289 : memref<32xi32, #tpu.memory_space<vmem>>) semaphore(%arg13 : memref<!tpu.dma_semaphore, #tpu.memory_space<semaphore_mem>>)
    %dma_start3A_293 = arith.constant 8 : i32
    %dma_start3A_294 = arith.constant 0 : i32
    %dma_start3A_295 = tpu.memref_slice %arg7[%dma_start3A_293, %dma_start3A_294] : memref<10x32xi32, #tpu.memory_space<vmem>> -> memref<1x32xi32, #tpu.memory_space<vmem>>
    %dma_start3A_296 = tpu.memref_squeeze %dma_start3A_295 : memref<1x32xi32, #tpu.memory_space<vmem>> -> memref<32xi32, #tpu.memory_space<vmem>>
    %dma_start3A_297 = arith.constant 0 : i32
    %dma_start3A_298 = arith.constant 0 : i32
    %dma_start3A_299 = tpu.memref_slice %arg6[%dma_start3A_297, %dma_start3A_298] : memref<16384x1024xf32, #tpu.memory_space<hbm>> -> memref<16384x1024xf32, #tpu.memory_space<hbm>>
    tpu.enqueue_indirect_dma source(%arg10 : memref<32x1024xf32, #tpu.memory_space<vmem>>) target(%dma_start3A_299 : memref<16384x1024xf32, #tpu.memory_space<hbm>>) offsets(%dma_start3A_296 : memref<32xi32, #tpu.memory_space<vmem>>) semaphore(%arg14 : memref<!tpu.dma_semaphore, #tpu.memory_space<semaphore_mem>>)
    %dma_wait3A_300 = arith.constant 9 : i32
    %dma_wait3A_301 = arith.constant 0 : i32
    %dma_wait3A_302 = tpu.memref_slice %arg7[%dma_wait3A_300, %dma_wait3A_301] : memref<10x32xi32, #tpu.memory_space<vmem>> -> memref<1x32xi32, #tpu.memory_space<vmem>>
    %dma_wait3A_303 = tpu.memref_squeeze %dma_wait3A_302 : memref<1x32xi32, #tpu.memory_space<vmem>> -> memref<32xi32, #tpu.memory_space<vmem>>
    %dma_wait3A_304 = arith.constant 0 : i32
    %dma_wait3A_305 = arith.constant 0 : i32
    %dma_wait3A_306 = tpu.memref_slice %arg2[%dma_wait3A_304, %dma_wait3A_305] : memref<16384x1024xf32, #tpu.memory_space<hbm>> -> memref<16384x1024xf32, #tpu.memory_space<hbm>>
    tpu.wait_indirect_dma semaphore(%arg13 : memref<!tpu.dma_semaphore, #tpu.memory_space<semaphore_mem>>) src(%dma_wait3A_306 : memref<16384x1024xf32, #tpu.memory_space<hbm>>) dst(%arg11 : memref<32x1024xf32, #tpu.memory_space<vmem>>)
    %dma_start3A_307 = arith.constant 9 : i32
    %dma_start3A_308 = arith.constant 0 : i32
    %dma_start3A_309 = tpu.memref_slice %arg7[%dma_start3A_307, %dma_start3A_308] : memref<10x32xi32, #tpu.memory_space<vmem>> -> memref<1x32xi32, #tpu.memory_space<vmem>>
    %dma_start3A_310 = tpu.memref_squeeze %dma_start3A_309 : memref<1x32xi32, #tpu.memory_space<vmem>> -> memref<32xi32, #tpu.memory_space<vmem>>
    %dma_start3A_311 = arith.constant 0 : i32
    %dma_start3A_312 = arith.constant 0 : i32
    %dma_start3A_313 = tpu.memref_slice %arg6[%dma_start3A_311, %dma_start3A_312] : memref<16384x1024xf32, #tpu.memory_space<hbm>> -> memref<16384x1024xf32, #tpu.memory_space<hbm>>
    tpu.enqueue_indirect_dma source(%arg11 : memref<32x1024xf32, #tpu.memory_space<vmem>>) target(%dma_start3A_313 : memref<16384x1024xf32, #tpu.memory_space<hbm>>) offsets(%dma_start3A_310 : memref<32xi32, #tpu.memory_space<vmem>>) semaphore(%arg15 : memref<!tpu.dma_semaphore, #tpu.memory_space<semaphore_mem>>)
    %dma_wait3A_314 = arith.constant 8 : i32
    %dma_wait3A_315 = arith.constant 0 : i32
    %dma_wait3A_316 = tpu.memref_slice %arg7[%dma_wait3A_314, %dma_wait3A_315] : memref<10x32xi32, #tpu.memory_space<vmem>> -> memref<1x32xi32, #tpu.memory_space<vmem>>
    %dma_wait3A_317 = tpu.memref_squeeze %dma_wait3A_316 : memref<1x32xi32, #tpu.memory_space<vmem>> -> memref<32xi32, #tpu.memory_space<vmem>>
    %dma_wait3A_318 = arith.constant 0 : i32
    %dma_wait3A_319 = arith.constant 0 : i32
    %dma_wait3A_320 = tpu.memref_slice %arg6[%dma_wait3A_318, %dma_wait3A_319] : memref<16384x1024xf32, #tpu.memory_space<hbm>> -> memref<16384x1024xf32, #tpu.memory_space<hbm>>
    tpu.wait_indirect_dma semaphore(%arg14 : memref<!tpu.dma_semaphore, #tpu.memory_space<semaphore_mem>>) src(%arg10 : memref<32x1024xf32, #tpu.memory_space<vmem>>) dst(%dma_wait3A_320 : memref<16384x1024xf32, #tpu.memory_space<hbm>>)
    %dma_wait3A_321 = arith.constant 9 : i32
    %dma_wait3A_322 = arith.constant 0 : i32
    %dma_wait3A_323 = tpu.memref_slice %arg7[%dma_wait3A_321, %dma_wait3A_322] : memref<10x32xi32, #tpu.memory_space<vmem>> -> memref<1x32xi32, #tpu.memory_space<vmem>>
    %dma_wait3A_324 = tpu.memref_squeeze %dma_wait3A_323 : memref<1x32xi32, #tpu.memory_space<vmem>> -> memref<32xi32, #tpu.memory_space<vmem>>
    %dma_wait3A_325 = arith.constant 0 : i32
    %dma_wait3A_326 = arith.constant 0 : i32
    %dma_wait3A_327 = tpu.memref_slice %arg6[%dma_wait3A_325, %dma_wait3A_326] : memref<16384x1024xf32, #tpu.memory_space<hbm>> -> memref<16384x1024xf32, #tpu.memory_space<hbm>>
    tpu.wait_indirect_dma semaphore(%arg15 : memref<!tpu.dma_semaphore, #tpu.memory_space<semaphore_mem>>) src(%arg11 : memref<32x1024xf32, #tpu.memory_space<vmem>>) dst(%dma_wait3A_327 : memref<16384x1024xf32, #tpu.memory_space<hbm>>)
    %dma_wait3A_328 = arith.constant 0 : i32
    %dma_wait3A_329 = arith.constant 0 : i32
    %dma_wait3A_330 = tpu.memref_slice %arg8[%dma_wait3A_328, %dma_wait3A_329] : memref<7x32xi32, #tpu.memory_space<vmem>> -> memref<1x32xi32, #tpu.memory_space<vmem>>
    %dma_wait3A_331 = tpu.memref_squeeze %dma_wait3A_330 : memref<1x32xi32, #tpu.memory_space<vmem>> -> memref<32xi32, #tpu.memory_space<vmem>>
    %dma_wait3A_332 = arith.constant 0 : i32
    %dma_wait3A_333 = arith.constant 0 : i32
    %dma_wait3A_334 = tpu.memref_slice %arg6[%dma_wait3A_332, %dma_wait3A_333] : memref<16384x1024xf32, #tpu.memory_space<hbm>> -> memref<16384x1024xf32, #tpu.memory_space<hbm>>
    tpu.wait_indirect_dma semaphore(%arg16 : memref<!tpu.dma_semaphore, #tpu.memory_space<semaphore_mem>>) src(%arg9 : memref<32x1024xf32, #tpu.memory_space<vmem>>) dst(%dma_wait3A_334 : memref<16384x1024xf32, #tpu.memory_space<hbm>>)
    %dma_wait3A_335 = arith.constant 1 : i32
    %dma_wait3A_336 = arith.constant 0 : i32
    %dma_wait3A_337 = tpu.memref_slice %arg8[%dma_wait3A_335, %dma_wait3A_336] : memref<7x32xi32, #tpu.memory_space<vmem>> -> memref<1x32xi32, #tpu.memory_space<vmem>>
    %dma_wait3A_338 = tpu.memref_squeeze %dma_wait3A_337 : memref<1x32xi32, #tpu.memory_space<vmem>> -> memref<32xi32, #tpu.memory_space<vmem>>
    %dma_wait3A_339 = arith.constant 0 : i32
    %dma_wait3A_340 = arith.constant 0 : i32
    %dma_wait3A_341 = tpu.memref_slice %arg6[%dma_wait3A_339, %dma_wait3A_340] : memref<16384x1024xf32, #tpu.memory_space<hbm>> -> memref<16384x1024xf32, #tpu.memory_space<hbm>>
    tpu.wait_indirect_dma semaphore(%arg16 : memref<!tpu.dma_semaphore, #tpu.memory_space<semaphore_mem>>) src(%arg9 : memref<32x1024xf32, #tpu.memory_space<vmem>>) dst(%dma_wait3A_341 : memref<16384x1024xf32, #tpu.memory_space<hbm>>)
    %dma_wait3A_342 = arith.constant 2 : i32
    %dma_wait3A_343 = arith.constant 0 : i32
    %dma_wait3A_344 = tpu.memref_slice %arg8[%dma_wait3A_342, %dma_wait3A_343] : memref<7x32xi32, #tpu.memory_space<vmem>> -> memref<1x32xi32, #tpu.memory_space<vmem>>
    %dma_wait3A_345 = tpu.memref_squeeze %dma_wait3A_344 : memref<1x32xi32, #tpu.memory_space<vmem>> -> memref<32xi32, #tpu.memory_space<vmem>>
    %dma_wait3A_346 = arith.constant 0 : i32
    %dma_wait3A_347 = arith.constant 0 : i32
    %dma_wait3A_348 = tpu.memref_slice %arg6[%dma_wait3A_346, %dma_wait3A_347] : memref<16384x1024xf32, #tpu.memory_space<hbm>> -> memref<16384x1024xf32, #tpu.memory_space<hbm>>
    tpu.wait_indirect_dma semaphore(%arg16 : memref<!tpu.dma_semaphore, #tpu.memory_space<semaphore_mem>>) src(%arg9 : memref<32x1024xf32, #tpu.memory_space<vmem>>) dst(%dma_wait3A_348 : memref<16384x1024xf32, #tpu.memory_space<hbm>>)
    %dma_wait3A_349 = arith.constant 3 : i32
    %dma_wait3A_350 = arith.constant 0 : i32
    %dma_wait3A_351 = tpu.memref_slice %arg8[%dma_wait3A_349, %dma_wait3A_350] : memref<7x32xi32, #tpu.memory_space<vmem>> -> memref<1x32xi32, #tpu.memory_space<vmem>>
    %dma_wait3A_352 = tpu.memref_squeeze %dma_wait3A_351 : memref<1x32xi32, #tpu.memory_space<vmem>> -> memref<32xi32, #tpu.memory_space<vmem>>
    %dma_wait3A_353 = arith.constant 0 : i32
    %dma_wait3A_354 = arith.constant 0 : i32
    %dma_wait3A_355 = tpu.memref_slice %arg6[%dma_wait3A_353, %dma_wait3A_354] : memref<16384x1024xf32, #tpu.memory_space<hbm>> -> memref<16384x1024xf32, #tpu.memory_space<hbm>>
    tpu.wait_indirect_dma semaphore(%arg16 : memref<!tpu.dma_semaphore, #tpu.memory_space<semaphore_mem>>) src(%arg9 : memref<32x1024xf32, #tpu.memory_space<vmem>>) dst(%dma_wait3A_355 : memref<16384x1024xf32, #tpu.memory_space<hbm>>)
    %dma_wait3A_356 = arith.constant 4 : i32
    %dma_wait3A_357 = arith.constant 0 : i32
    %dma_wait3A_358 = tpu.memref_slice %arg8[%dma_wait3A_356, %dma_wait3A_357] : memref<7x32xi32, #tpu.memory_space<vmem>> -> memref<1x32xi32, #tpu.memory_space<vmem>>
    %dma_wait3A_359 = tpu.memref_squeeze %dma_wait3A_358 : memref<1x32xi32, #tpu.memory_space<vmem>> -> memref<32xi32, #tpu.memory_space<vmem>>
    %dma_wait3A_360 = arith.constant 0 : i32
    %dma_wait3A_361 = arith.constant 0 : i32
    %dma_wait3A_362 = tpu.memref_slice %arg6[%dma_wait3A_360, %dma_wait3A_361] : memref<16384x1024xf32, #tpu.memory_space<hbm>> -> memref<16384x1024xf32, #tpu.memory_space<hbm>>
    tpu.wait_indirect_dma semaphore(%arg16 : memref<!tpu.dma_semaphore, #tpu.memory_space<semaphore_mem>>) src(%arg9 : memref<32x1024xf32, #tpu.memory_space<vmem>>) dst(%dma_wait3A_362 : memref<16384x1024xf32, #tpu.memory_space<hbm>>)
    %dma_wait3A_363 = arith.constant 5 : i32
    %dma_wait3A_364 = arith.constant 0 : i32
    %dma_wait3A_365 = tpu.memref_slice %arg8[%dma_wait3A_363, %dma_wait3A_364] : memref<7x32xi32, #tpu.memory_space<vmem>> -> memref<1x32xi32, #tpu.memory_space<vmem>>
    %dma_wait3A_366 = tpu.memref_squeeze %dma_wait3A_365 : memref<1x32xi32, #tpu.memory_space<vmem>> -> memref<32xi32, #tpu.memory_space<vmem>>
    %dma_wait3A_367 = arith.constant 0 : i32
    %dma_wait3A_368 = arith.constant 0 : i32
    %dma_wait3A_369 = tpu.memref_slice %arg6[%dma_wait3A_367, %dma_wait3A_368] : memref<16384x1024xf32, #tpu.memory_space<hbm>> -> memref<16384x1024xf32, #tpu.memory_space<hbm>>
    tpu.wait_indirect_dma semaphore(%arg16 : memref<!tpu.dma_semaphore, #tpu.memory_space<semaphore_mem>>) src(%arg9 : memref<32x1024xf32, #tpu.memory_space<vmem>>) dst(%dma_wait3A_369 : memref<16384x1024xf32, #tpu.memory_space<hbm>>)
    %dma_wait3A_370 = arith.constant 6 : i32
    %dma_wait3A_371 = arith.constant 0 : i32
    %dma_wait3A_372 = tpu.memref_slice %arg8[%dma_wait3A_370, %dma_wait3A_371] : memref<7x32xi32, #tpu.memory_space<vmem>> -> memref<1x32xi32, #tpu.memory_space<vmem>>
    %dma_wait3A_373 = tpu.memref_squeeze %dma_wait3A_372 : memref<1x32xi32, #tpu.memory_space<vmem>> -> memref<32xi32, #tpu.memory_space<vmem>>
    %dma_wait3A_374 = arith.constant 0 : i32
    %dma_wait3A_375 = arith.constant 0 : i32
    %dma_wait3A_376 = tpu.memref_slice %arg6[%dma_wait3A_374, %dma_wait3A_375] : memref<16384x1024xf32, #tpu.memory_space<hbm>> -> memref<16384x1024xf32, #tpu.memory_space<hbm>>
    tpu.wait_indirect_dma semaphore(%arg16 : memref<!tpu.dma_semaphore, #tpu.memory_space<semaphore_mem>>) src(%arg9 : memref<32x1024xf32, #tpu.memory_space<vmem>>) dst(%dma_wait3A_376 : memref<16384x1024xf32, #tpu.memory_space<hbm>>)
    return
  }
}

</mosaic_0001>

<sc_bundles>
// kernel: kernel.3.cloned.1.call-start
scs
__scs_entry_jumppad:
0x0: {  	(pc) =	sbr.rel $0x88, $3  }
0x1: {  	(tag) =	ssettag $0x0;
	lr =	simm.s32 $0x1  }
0x2: {  	[smem:$0x3FA0] =	sst lr;
	_ =	strace $0xD0000000  }
0x3: {  	_ = 	snop  }
0x4: {  	_ = 	snop  }
0x5: {  	_ = 	snop  }
0x6: {  	_ = 	snop  }
0x7: {  	_ = 	snop  }
__scs_overlays_trampoline_lowered:
0x8: {  	[smem:$0x3FAF] =	sst s0  }
0x9: {  	[smem:$0x3FB0] =	sst s1  }
0xa: {  	[smem:$0x3FB1] =	sst s2  }
0xb: {  	[smem:$0x3FB2] =	sst s3  }
0xc: {  	[smem:$0x3FB3] =	sst s4  }
0xd: {  	[smem:$0x3FB4] =	sst s5  }
0xe: {  	[smem:$0x3FB5] =	sst s6  }
0xf: {  	[smem:$0x3FB6] =	sst s7  }
0x10: {  	[smem:$0x3FB7] =	sst s8  }
0x11: {  	[smem:$0x3FB8] =	sst s9;
	s0 =	simm.s32 @!p0 $0x0  }
0x12: {  	s1 =	sld [smem:$0x3F9E];
	s0 =	simm.s32 @p0 $0x1  }
0x13: {  	[smem:$0x3FB9] =	sst s0;
	s0 =	simm.s32 @!p1 $0x0  }
0x14: {  	s2 =	sld [smem:$0x3F9D];
	s0 =	simm.s32 @p1 $0x1  }
0x15: {  	[smem:$0x3FBA] =	sst s0;
	s0 =	simm.s32 @!p2 $0x0  }
0x16: {  	s3 =	sld [smem:$0x3FDB];
	s0 =	simm.s32 @p2 $0x1  }
0x17: {  	s4 =	simm.s32 $0x1BF5;
	[smem:$0x3FBC] =	sst s0  }
0x18: {  	s0 =	sld [smem:$0x3F9F];
	_ =	swait.ge [sflag:s4], $0x0  }
0x19: {  	s7 =	sld [smem:$0x3FA0]  }
0x1a: {  	s8 =	sadd.s32 $0xFFFFE003, lr  }
0x1b: {  	s9 =	sadd.s32 $0xFFFFFEF7, lr;
	s5 =	simm.s32 $0xFFFFFFFF;
	p2 =	slt.u32 s8, $0xFFFFF086  }
0x1c: {  	p1 =	slt.u32 s9, $0xF7A;
	s5 =	simm.s32 @!p2 $0x0  }
0x1d: {  	s5 =	simm.s32 @p1 $0x1;
	p0 =	seq.s32 s7, s2  }
0x1e: {  	s7 =	smul.u32 @!p0 $0xF7A, s2;
	p2 =	seq.s32 @!p0 s5, $0x0  }
0x1f: {  	s9 =	smul.u32 $0xF7A, s1;
	s8 =	simm.s32 @!p0 $0x1BF5;
	p2 =	por !p2, p0  }
0x20: {  	[sflag:s8] =	ssyncset.s32 @!p0 $0xFFFFF086;
	s6 =	sadd.s32 @!p0 s3, s7;
	s7 =	simm.s32 @!p0 $0x108  }
0x21: {  	s3 =	sadd.s32 s3, s9;
	s6 =	sadd.s32 @!p0 $0x88, s6;
	s7 =	simm.s32 @p2 $0x1082  }
0x22: {  	[simem:s7], [sflag:s8] =	dma.local @!p0 [hbm:s6], $0xF7A  }
0x23: {  	s9 =	sor.u32 $0xD0000000, s2;
	s6 =	simm.s32 $0x108;
	_ =	swait.ge @!p0 [sflag:s8], $0x0  }
0x24: {  	s3 =	sadd.s32 $0x88, s3;
	s6 =	simm.s32 @!p1 $0x1082;
	[sflag:s4] =	ssyncset.s32 $0xFFFFF086  }
0x25: {  	[simem:s6], [sflag:s4] =	dma.local [hbm:s3], $0xF7A  }
0x26: {  	[smem:$0x3FA0] =	sst s1;
	(tag) =	ssettag s2;
	_ =	strace s9  }
0x27: {  	s1 =	sld [smem:$0x3FB0]  }
0x28: {  	s2 =	sld [smem:$0x3FB1]  }
0x29: {  	s4 =	sld [smem:$0x3FB3]  }
0x2a: {  	p0 =	seq.s32 s5, $0x0;
	s5 =	sld [smem:$0x3FB4]  }
0x2b: {  	s6 =	sld [smem:$0x3FB5]  }
0x2c: {  	s7 =	sld [smem:$0x3FB6]  }
0x2d: {  	s3 =	simm.s32 $0x108;
	s8 =	sld [smem:$0x3FB7]  }
0x2e: {  	s3 =	simm.s32 @!p0 $0x1082;
	s9 =	sld [smem:$0x3FB8]  }
0x2f: {  	lr =	sadd.s32 s0, s3;
	s0 =	sld [smem:$0x3FAF]  }
0x30: {  	s3 =	sld [smem:$0x3FB2]  }
0x31: {  	[smem:$0x3FBB] =	sst s10  }
0x32: {  	s10 =	sld [smem:$0x3FB9];
	_ =	sdelay $0x3  }
0x33: {  	p0 =	seq.s32 s10, $0x1;
	s10 =	sld [smem:$0x3FBB];
	_ =	sdelay $0x3  }
0x34: {  	[smem:$0x3FBB] =	sst s10  }
0x35: {  	s10 =	sld [smem:$0x3FBA];
	_ =	sdelay $0x3  }
0x36: {  	p1 =	seq.s32 s10, $0x1;
	s10 =	sld [smem:$0x3FBB];
	_ =	sdelay $0x3  }
0x37: {  	[smem:$0x3FBB] =	sst s10  }
0x38: {  	s10 =	sld [smem:$0x3FBC]  }
0x39: {  	_ = 	snop;
	(pc) =	sbr.ind lr, $3  }
0x3a: {  	_ = 	snop  }
0x3b: {  	_ = 	snop  }
0x3c: {  	p2 =	seq.s32 s10, $0x1;
	s10 =	sld [smem:$0x3FBB]  }
0x3d: {  	_ =	shalt  }
0x3e: {  	_ =	shalt  }
0x3f: {  	_ =	shalt  }
0x40: {  	_ =	shalt  }
0x41: {  	_ =	shalt  }
0x42: {  	_ =	shalt  }
0x43: {  	_ =	shalt  }
0x44: {  	_ =	shalt  }
0x45: {  	_ =	shalt  }
0x46: {  	_ =	shalt  }
0x47: {  	_ =	shalt  }
0x48: {  	_ =	shalt  }
0x49: {  	_ =	shalt  }
0x4a: {  	_ =	shalt  }
0x4b: {  	_ =	shalt  }
0x4c: {  	_ =	shalt  }
0x4d: {  	_ =	shalt  }
0x4e: {  	_ =	shalt  }
0x4f: {  	_ =	shalt  }
0x50: {  	_ =	shalt  }
0x51: {  	_ =	shalt  }
0x52: {  	_ =	shalt  }
0x53: {  	_ =	shalt  }
0x54: {  	_ =	shalt  }
0x55: {  	_ =	shalt  }
0x56: {  	_ =	shalt  }
0x57: {  	_ =	shalt  }
0x58: {  	_ =	shalt  }
0x59: {  	_ =	shalt  }
0x5a: {  	_ =	shalt  }
0x5b: {  	_ =	shalt  }
0x5c: {  	_ =	shalt  }
0x5d: {  	_ =	shalt  }
0x5e: {  	_ =	shalt  }
0x5f: {  	_ =	shalt  }
0x60: {  	_ =	shalt  }
0x61: {  	_ =	shalt  }
0x62: {  	_ =	shalt  }
0x63: {  	_ =	shalt  }
0x64: {  	_ =	shalt  }
0x65: {  	_ =	shalt  }
0x66: {  	_ =	shalt  }
0x67: {  	_ =	shalt  }
0x68: {  	_ =	shalt  }
0x69: {  	_ =	shalt  }
0x6a: {  	_ =	shalt  }
0x6b: {  	_ =	shalt  }
0x6c: {  	_ =	shalt  }
0x6d: {  	_ =	shalt  }
0x6e: {  	_ =	shalt  }
0x6f: {  	_ =	shalt  }
0x70: {  	_ =	shalt  }
0x71: {  	_ =	shalt  }
0x72: {  	_ =	shalt  }
0x73: {  	_ =	shalt  }
0x74: {  	_ =	shalt  }
0x75: {  	_ =	shalt  }
0x76: {  	_ =	shalt  }
0x77: {  	_ =	shalt  }
0x78: {  	_ =	shalt  }
0x79: {  	_ =	shalt  }
0x7a: {  	_ =	shalt  }
0x7b: {  	_ =	shalt  }
0x7c: {  	_ =	shalt  }
0x7d: {  	_ =	shalt  }
0x7e: {  	_ =	shalt  }
0x7f: {  	_ =	shalt  }
0x80: {  	_ =	shalt  }
0x81: {  	_ =	shalt  }
0x82: {  	_ =	shalt  }
0x83: {  	_ =	shalt  }
0x84: {  	_ =	shalt  }
0x85: {  	_ =	shalt  }
0x86: {  	_ =	shalt  }
0x87: {  	_ =	shalt  }
.Lfunc_end0:
.L_simem_size_0:
called_computation_lowered:
.L_overlay_start_0:
0x88: {  	s2 =	sld [smem:$0x3FD9]  }
0x89: {  	s3 =	sld [smem:$0x3FFE];
	_ =	sdelay $0x1  }
0x8a: {  	s1 =	srdreg.scid  }
0x8b: {  	s0 =	sand.u32 $0x1, s1  }
0x8c: {  	s17 =	sshll.u32 s0, $0xA;
	s2 =	sadd.s32 s3, s2  }
0x8d: {  	s2 =	sadd.s32 s2, s17  }
0x8e: {  	[smem:$0x3FC7] =	sst s2  }
0x8f: {  	_ = 	snop  }
0x90: {  	s2 =	sld [smem:$0x3FC9]  }
0x91: {  	s18 =	sld [smem:$0x3FD0];
	(tm) =	ssettm $0x1  }
0x92: {  	s4 =	sld [smem:$0x3FFB];
	_ =	sdelay $0x3  }
0x93: {  	_ =	strace s4  }
0x94: {  	s4 =	sld [smem:$0x3FFC];
	_ =	sdelay $0x3  }
0x95: {  	_ =	strace s4  }
0x96: {  	s4 =	sld [smem:$0x3FFD];
	_ =	sdelay $0x3  }
0x97: {  	_ =	strace s4  }
0x98: {  	_ =	strace $0x8FFFFFFF  }
0x99: {  	s19 =	sld [smem:$0x3FDB];
	_ =	sdelay $0x1  }
0x9a: {  	s5 =	simm.s32 $_scs_section_size  }
0x9b: {  	s6 =	simm.s32 $_size__tile_overlayer_lowered;
	s7 =	simm.s32 $_tile_overlayer_lowered  }
0x9c: {  	s22 =	simm.s32 $0x1BFF;
	s21 =	sshll.u32 s7, $0x1;
	s4 =	sadd.s32 s5, s19  }
0x9d: {  	s8 =	simm.s32 $0x0;
	s20 =	sshll.u32 s6, $0x1;
	s6 =	sadd.s32 s21, s4  }
0x9e: {  	[timem:s8], [sflag:s22] =	dma.local [hbm:s6], s20  }
0x9f: {  	_ =	swait.ge [sflag:s22], s20  }
0xa0: {  	s5 =	ssub.s32 $0x0, s20;
	[sflag:s22] =	ssyncset.done $0x0  }
0xa1: {  	[sflag:s22] =	ssyncadd.s32 s5;
	_ =	sdelay $0x1  }
0xa2: {  	s23 =	simm.s32 $0x1B8B  }
0xa3: {  	_ =	swait.ge [sflag:s23], $0x1  }
0xa4: {  	[sflag:s23] =	ssyncset.done $0x0  }
0xa5: {  	s25 =	simm.s32 $0x1B8E;
	s24 =	sld [smem:$0x3FFE];
	[sflag:s23] =	ssyncadd.s32 $0xFFFFFFFF  }
0xa6: {  	s26 =	simm.s32 $execute0_lowered;
	[smem:$0x3FD2] =	sst s25  }
0xa7: {  	s6 =	sshll.u32 s26, $0x1;
	_ =	strace $0x80000046;
	[dreg:$0x1] =	wrdreg $0xFFFFFFFF  }
0xa8: {  	s28 =	simm.s32 $_size_execute0_lowered;
	s4 =	sadd.s32 s4, s6;
	[dreg:$0x0] =	wrdreg $0x0  }
0xa9: {  	s6 =	sshll.u32 s28, $0x1;
	[dreg:$0x2] =	wrdreg s4  }
0xaa: {  	[dreg:$0x3] =	wrdreg s6  }
0xab: {  	[dreg:$0x4] =	wrdreg $0xC0  }
0xac: {  	_ =	task [dreg:s8], $0x5FFFF  }
0xad: {  	[dreg:$0x1] =	wrdreg $0xFFFFFFFF  }
0xae: {  	[dreg:$0x0] =	wrdreg $0x60  }
0xaf: {  	[dreg:$0x2] =	wrdreg s2  }
0xb0: {  	[dreg:$0x3] =	wrdreg s24  }
0xb1: {  	[dreg:$0x4] =	wrdreg s18  }
0xb2: {  	[dreg:$0x5] =	wrdreg $0x9  }
0xb3: {  	_ =	task.clear_ibuf [dreg:s8], $0x6FFFF;
	_ =	strace $0x90000046  }
0xb4: {  	s29 =	simm.s32 $0x9;
	_ =	strace $0x80000048  }
0xb5: {  	_ =	swait.ge [sflag:s29], $0x1  }
0xb6: {  	[sflag:s29] =	ssyncadd.s32 $0xFFFFFFFF  }
0xb7: {  	_ =	strace $0x90000048  }
0xb8: {  	_ =	sfence  }
0xb9: {  	s30 =	sld [smem:$0x0];
	_ =	sdelay $0x2  }
0xba: {  	s31 =	sshll.u32 s1, $0xD;
	s1 =	sshrl.u32 s1, $0x2  }
0xbb: {  	s3 =	sand.u32 $0x4000, s31;
	s1 =	sadd.s32 s1, s30  }
0xbc: {  	s0 =	sor.u32 s3, s0;
	s1 =	sshll.u32 s1, $0x11  }
0xbd: {  	s0 =	sor.u32 s1, s0  }
0xbe: {  	s0 =	sadd.s32 $0x8F2B, s0  }
0xbf: {  	[sflag:s0] =	ssyncadd.remote.s32 $0x1  }
0xc0: {  	_ =	sfence.sel $0xFFFF  }
0xc1: {  	[dreg:$0x0] =	wrdreg $0xFFFFFFFF;
	(pc) =	sbr.abs _section_cstart, $3  }
0xc2: {  	[dreg:$0x1] =	wrdreg $0xFFFFFFFF  }
0xc3: {  	_ =	task.clear_ibuf [dreg:s8], $0x2FFFF;
	_ =	strace $0x9FFFFFFF  }
0xc4: {  	(tm) =	ssettm $0x7FFFFFFF  }
0xc5: {  	_ =	shalt  }
tec
execute0_lowered:
.L_overlay_start_1:
0x0: {  	(tag) =	ssettag $0x1  }
0x1: {  	s25 =	rddreg [dreg:$0x0]  }
0x2: {  	s0 =	rddreg [dreg:$0x1]  }
0x3: {  	s3 =	rddreg [dreg:$0x2]  }
0x4: {  	s2 =	srdreg.scid;
	s5 =	stileid.u32;
	s4 =	simm.s32 $0x0  }
0x5: {  	s31 =	simm.s32 $0x800;
	s2 =	sand.u32 $0x1, s2;
	s5 =	sshll.u32 s5, $0x1  }
0x6: {  	[smem:$0x7FF] =	sst s4;
	s7 =	sadd.s32 $0x300, s3;
	s8 =	sadd.s32 $0x100, s25  }
0x7: {  	s9 =	sadd.s32 $0x200, s25;
	s10 =	sadd.s32 $0x300, s25;
	s5 =	sor.u32 s2, s5  }
0x8: {  	_ =	strace $0x80000047;
	s26 =	ssub.s32 $0x2, s2;
	[dreg:$0x7] =	wrdreg s31  }
0x9: {  	s6 =	sshll.u32 s5, $0x8;
	s5 =	sshll.u32 s5, $0x7;
	s29 =	sshrl.u32 s26, $0x1  }
0xa: {  	s6 =	sadd.s32 s6, s0;
	s5 =	sadd.s32 s5, s0;
	s0 =	sadd.s32 $0x3400, s0  }
0xb: {  	v2 =	vlaneseq.u32;
	[dreg:$0x4] =	wrdreg s0;
	s28 =	sadd.s32 $0x1400, s6;
	s30 =	sadd.s32 $0x400, s5  }
0xc: {  	vm0 =	vmmov $0xffff;
	v1 =	vshrl.u32 v2, $0x3;
	s0 =	ssub.s32 s26, s29;
	s5 =	sadd.s32 $0x100, s3;
	[dreg:$0x5] =	wrdreg s28  }
0xd: {  	v0 =	vand.u32 $0x7, v2;
	v2 =	vor.u32 $0x8, v2;
	v1 =	vmul.u32 $0x8, v1;
	s6 =	sadd.s32 $0x200, s3;
	[dreg:$0x6] =	wrdreg s30;
	s2 =	smax.u32 s0, $0x1  }
.LBB2_1:
0xe: {  	[dreg:$0x8] =	wrdreg s2  }
0xf: {  	s28 =	rddreg [dreg:$0x5];
	s13 =	simm.s32 $0x6  }
0x10: {  	[tilespmem:s4], [sflag:$0x6] =	stream.linear.gather [hbm4b:s28+s4], $0x500, $0x38;
	[tilespmem:$0x18C00] =	vst v63  }
0x11: {  	_ =	swait.ge [sflag:s13], $0x500  }
0x12: {  	s20 =	rddreg [dreg:$0x6];
	[sflag:s13] =	ssyncset.done $0x0  }
0x13: {  	s29 =	rddreg [dreg:$0x7];
	[sflag:s13] =	ssyncadd.s32 $0xFFFFFB00  }
0x14: {  	[tilespmem:s29], [sflag:$0x6] =	stream.linear.gather [hbm4b:s20+s4], $0x380, $0x38;
	[tilespmem:$0x18C00] =	vst v63  }
0x15: {  	_ =	swait.ge [sflag:s13], $0x380  }
0x16: {  	[sflag:s13] =	ssyncset.done $0x0  }
0x17: {  	s22 =	simm.s32 $0xC00;
	s21 =	rddreg [dreg:$0x4];
	[sflag:s13] =	ssyncadd.s32 $0xFFFFFC80  }
0x18: {  	[tilespmem:s22], [sflag:$0x6] =	stream.linear.gather [hbm4b:s21+s4], $0x8000, $0x38;
	[tilespmem:$0x18C00] =	vst v63  }
0x19: {  	_ =	swait.ge [sflag:s13], $0x8000  }
0x1a: {  	[sflag:s13] =	ssyncset.done $0x0  }
0x1b: {  	[sflag:s13] =	ssyncadd.s32 $0xFFFF8000  }
0x1c: {  	v3 =	vld [tilespmem:$0x800];
	_ =	sdelay $0x4  }
0x1d: {  	v4 =	vshll.u32 v3, $0x3  }
0x1e: {  	v3 =	vand.u32 $0x7, v3;
	v4 =	vand.u32 $0xFFFFFFC0, v4  }
0x1f: {  	v3 =	vor.u32 v3, v4  }
0x20: {  	v4 =	vperm.xlane v3, v0;
	_ =	sdelay $0x1  }
0x21: {  	v4 =	vadd.s32 v1, v4;
	_ =	sdelay $0x4  }
0x22: {  	[hbm4b:s3+s4] =	stream.indirect_vreg.scatter [tilespmem:s22], [sflag:$0x5], $0x80, v4, vm0, $0xb8;
	[tilespmem:$0x18C00] =	vst v63  }
0x23: {  	s23 =	simm.s32 $0x1400;
	v3 =	vperm.xlane v3, v2  }
0x24: {  	[hbm4b:s5+s4] =	stream.indirect_vreg.scatter [tilespmem:s23], [sflag:$0x5], $0x80, v4, vm0, $0xb8;
	[tilespmem:$0x18C00] =	vst v63  }
0x25: {  	s24 =	simm.s32 $0x1C00;
	v3 =	vadd.s32 v1, v3  }
0x26: {  	[hbm4b:s6+s4] =	stream.indirect_vreg.scatter [tilespmem:s24], [sflag:$0x5], $0x80, v4, vm0, $0xb8;
	[tilespmem:$0x18C00] =	vst v63  }
0x27: {  	s12 =	simm.s32 $0x2400  }
0x28: {  	[hbm4b:s7+s4] =	stream.indirect_vreg.scatter [tilespmem:s12], [sflag:$0x5], $0x80, v4, vm0, $0xb8;
	[tilespmem:$0x18C00] =	vst v63  }
0x29: {  	s30 =	simm.s32 $0x2C00  }
0x2a: {  	[hbm4b:s3+s4] =	stream.indirect_vreg.scatter [tilespmem:s30], [sflag:$0x5], $0x80, v3, vm0, $0xb8;
	[tilespmem:$0x18C00] =	vst v63  }
0x2b: {  	s31 =	simm.s32 $0x3400  }
0x2c: {  	[hbm4b:s5+s4] =	stream.indirect_vreg.scatter [tilespmem:s31], [sflag:$0x5], $0x80, v3, vm0, $0xb8;
	[tilespmem:$0x18C00] =	vst v63  }
0x2d: {  	s0 =	simm.s32 $0x3C00  }
0x2e: {  	[hbm4b:s6+s4] =	stream.indirect_vreg.scatter [tilespmem:s0], [sflag:$0x5], $0x80, v3, vm0, $0xb8;
	[tilespmem:$0x18C00] =	vst v63  }
0x2f: {  	s26 =	simm.s32 $0x4400  }
0x30: {  	[hbm4b:s7+s4] =	stream.indirect_vreg.scatter [tilespmem:s26], [sflag:$0x5], $0x80, v3, vm0, $0xb8;
	[tilespmem:$0x18C00] =	vst v63  }
0x31: {  	v3 =	vld [tilespmem:$0x810];
	_ =	sdelay $0x4  }
0x32: {  	v11 =	vshll.u32 v3, $0x3  }
0x33: {  	v3 =	vand.u32 $0x7, v3;
	v4 =	vand.u32 $0xFFFFFFC0, v11  }
0x34: {  	v3 =	vor.u32 v3, v4  }
0x35: {  	v4 =	vperm.xlane v3, v0;
	_ =	sdelay $0x1  }
0x36: {  	v4 =	vadd.s32 v1, v4;
	_ =	sdelay $0x3  }
0x37: {  	s14 =	simm.s32 $0x4C00  }
0x38: {  	[hbm4b:s3+s4] =	stream.indirect_vreg.scatter [tilespmem:s14], [sflag:$0x5], $0x80, v4, vm0, $0xb8;
	[tilespmem:$0x18C00] =	vst v63  }
0x39: {  	s15 =	simm.s32 $0x5400;
	v3 =	vperm.xlane v3, v2  }
0x3a: {  	[hbm4b:s5+s4] =	stream.indirect_vreg.scatter [tilespmem:s15], [sflag:$0x5], $0x80, v4, vm0, $0xb8;
	[tilespmem:$0x18C00] =	vst v63  }
0x3b: {  	s16 =	simm.s32 $0x5C00;
	v3 =	vadd.s32 v1, v3  }
0x3c: {  	[hbm4b:s6+s4] =	stream.indirect_vreg.scatter [tilespmem:s16], [sflag:$0x5], $0x80, v4, vm0, $0xb8;
	[tilespmem:$0x18C00] =	vst v63  }
0x3d: {  	s17 =	simm.s32 $0x6400  }
0x3e: {  	[hbm4b:s7+s4] =	stream.indirect_vreg.scatter [tilespmem:s17], [sflag:$0x5], $0x80, v4, vm0, $0xb8;
	[tilespmem:$0x18C00] =	vst v63  }
0x3f: {  	s18 =	simm.s32 $0x6C00  }
0x40: {  	[hbm4b:s3+s4] =	stream.indirect_vreg.scatter [tilespmem:s18], [sflag:$0x5], $0x80, v3, vm0, $0xb8;
	[tilespmem:$0x18C00] =	vst v63  }
0x41: {  	s19 =	simm.s32 $0x7400  }
0x42: {  	[hbm4b:s5+s4] =	stream.indirect_vreg.scatter [tilespmem:s19], [sflag:$0x5], $0x80, v3, vm0, $0xb8;
	[tilespmem:$0x18C00] =	vst v63  }
0x43: {  	s20 =	simm.s32 $0x7C00  }
0x44: {  	[hbm4b:s6+s4] =	stream.indirect_vreg.scatter [tilespmem:s20], [sflag:$0x5], $0x80, v3, vm0, $0xb8;
	[tilespmem:$0x18C00] =	vst v63  }
0x45: {  	s21 =	simm.s32 $0x8400  }
0x46: {  	[hbm4b:s7+s4] =	stream.indirect_vreg.scatter [tilespmem:s21], [sflag:$0x5], $0x80, v3, vm0, $0xb8;
	[tilespmem:$0x18C00] =	vst v63  }
0x47: {  	v3 =	vld [tilespmem:$0x880];
	_ =	sdelay $0x4  }
0x48: {  	v12 =	vshll.u32 v3, $0x3  }
0x49: {  	v3 =	vand.u32 $0x7, v3;
	v4 =	vand.u32 $0xFFFFFFC0, v12  }
0x4a: {  	v3 =	vor.u32 v3, v4  }
0x4b: {  	v4 =	vperm.xlane v3, v0;
	_ =	sdelay $0x1  }
0x4c: {  	v4 =	vadd.s32 v1, v4;
	_ =	sdelay $0x4  }
0x4d: {  	[hbm4b:s3+s4] =	stream.indirect_vreg.scatter [tilespmem:s22], [sflag:$0x5], $0x80, v4, vm0, $0xb8;
	[tilespmem:$0x18C00] =	vst v63  }
0x4e: {  	v3 =	vperm.xlane v3, v2  }
0x4f: {  	[hbm4b:s5+s4] =	stream.indirect_vreg.scatter [tilespmem:s23], [sflag:$0x5], $0x80, v4, vm0, $0xb8;
	[tilespmem:$0x18C00] =	vst v63  }
0x50: {  	v3 =	vadd.s32 v1, v3  }
0x51: {  	[hbm4b:s6+s4] =	stream.indirect_vreg.scatter [tilespmem:s24], [sflag:$0x5], $0x80, v4, vm0, $0xb8;
	[tilespmem:$0x18C00] =	vst v63  }
0x52: {  	_ = 	snop  }
0x53: {  	[hbm4b:s7+s4] =	stream.indirect_vreg.scatter [tilespmem:s12], [sflag:$0x5], $0x80, v4, vm0, $0xb8;
	[tilespmem:$0x18C00] =	vst v63  }
0x54: {  	_ = 	snop  }
0x55: {  	[hbm4b:s3+s4] =	stream.indirect_vreg.scatter [tilespmem:s30], [sflag:$0x5], $0x80, v3, vm0, $0xb8;
	[tilespmem:$0x18C00] =	vst v63  }
0x56: {  	_ = 	snop  }
0x57: {  	[hbm4b:s5+s4] =	stream.indirect_vreg.scatter [tilespmem:s31], [sflag:$0x5], $0x80, v3, vm0, $0xb8;
	[tilespmem:$0x18C00] =	vst v63  }
0x58: {  	_ = 	snop  }
0x59: {  	[hbm4b:s6+s4] =	stream.indirect_vreg.scatter [tilespmem:s0], [sflag:$0x5], $0x80, v3, vm0, $0xb8;
	[tilespmem:$0x18C00] =	vst v63  }
0x5a: {  	_ = 	snop  }
0x5b: {  	[hbm4b:s7+s4] =	stream.indirect_vreg.scatter [tilespmem:s26], [sflag:$0x5], $0x80, v3, vm0, $0xb8;
	[tilespmem:$0x18C00] =	vst v63  }
0x5c: {  	v3 =	vld [tilespmem:$0x890];
	_ =	sdelay $0x4  }
0x5d: {  	v13 =	vshll.u32 v3, $0x3  }
0x5e: {  	v3 =	vand.u32 $0x7, v3;
	v4 =	vand.u32 $0xFFFFFFC0, v13  }
0x5f: {  	v3 =	vor.u32 v3, v4  }
0x60: {  	v4 =	vperm.xlane v3, v0;
	_ =	sdelay $0x1  }
0x61: {  	v4 =	vadd.s32 v1, v4;
	_ =	sdelay $0x4  }
0x62: {  	[hbm4b:s3+s4] =	stream.indirect_vreg.scatter [tilespmem:s14], [sflag:$0x5], $0x80, v4, vm0, $0xb8;
	[tilespmem:$0x18C00] =	vst v63  }
0x63: {  	v3 =	vperm.xlane v3, v2  }
0x64: {  	[hbm4b:s5+s4] =	stream.indirect_vreg.scatter [tilespmem:s15], [sflag:$0x5], $0x80, v4, vm0, $0xb8;
	[tilespmem:$0x18C00] =	vst v63  }
0x65: {  	v3 =	vadd.s32 v1, v3  }
0x66: {  	[hbm4b:s6+s4] =	stream.indirect_vreg.scatter [tilespmem:s16], [sflag:$0x5], $0x80, v4, vm0, $0xb8;
	[tilespmem:$0x18C00] =	vst v63  }
0x67: {  	_ = 	snop  }
0x68: {  	[hbm4b:s7+s4] =	stream.indirect_vreg.scatter [tilespmem:s17], [sflag:$0x5], $0x80, v4, vm0, $0xb8;
	[tilespmem:$0x18C00] =	vst v63  }
0x69: {  	_ = 	snop  }
0x6a: {  	[hbm4b:s3+s4] =	stream.indirect_vreg.scatter [tilespmem:s18], [sflag:$0x5], $0x80, v3, vm0, $0xb8;
	[tilespmem:$0x18C00] =	vst v63  }
0x6b: {  	_ = 	snop  }
0x6c: {  	[hbm4b:s5+s4] =	stream.indirect_vreg.scatter [tilespmem:s19], [sflag:$0x5], $0x80, v3, vm0, $0xb8;
	[tilespmem:$0x18C00] =	vst v63  }
0x6d: {  	_ = 	snop  }
0x6e: {  	[hbm4b:s6+s4] =	stream.indirect_vreg.scatter [tilespmem:s20], [sflag:$0x5], $0x80, v3, vm0, $0xb8;
	[tilespmem:$0x18C00] =	vst v63  }
0x6f: {  	_ = 	snop  }
0x70: {  	[hbm4b:s7+s4] =	stream.indirect_vreg.scatter [tilespmem:s21], [sflag:$0x5], $0x80, v3, vm0, $0xb8;
	[tilespmem:$0x18C00] =	vst v63  }
0x71: {  	v3 =	vld [tilespmem:$0x900];
	_ =	sdelay $0x4  }
0x72: {  	v14 =	vshll.u32 v3, $0x3  }
0x73: {  	v3 =	vand.u32 $0x7, v3;
	v4 =	vand.u32 $0xFFFFFFC0, v14  }
0x74: {  	v3 =	vor.u32 v3, v4  }
0x75: {  	v4 =	vperm.xlane v3, v0;
	_ =	sdelay $0x1  }
0x76: {  	v4 =	vadd.s32 v1, v4;
	_ =	sdelay $0x4  }
0x77: {  	[hbm4b:s3+s4] =	stream.indirect_vreg.scatter [tilespmem:s22], [sflag:$0x5], $0x80, v4, vm0, $0xb8;
	[tilespmem:$0x18C00] =	vst v63  }
0x78: {  	v3 =	vperm.xlane v3, v2  }
0x79: {  	[hbm4b:s5+s4] =	stream.indirect_vreg.scatter [tilespmem:s23], [sflag:$0x5], $0x80, v4, vm0, $0xb8;
	[tilespmem:$0x18C00] =	vst v63  }
0x7a: {  	v3 =	vadd.s32 v1, v3  }
0x7b: {  	[hbm4b:s6+s4] =	stream.indirect_vreg.scatter [tilespmem:s24], [sflag:$0x5], $0x80, v4, vm0, $0xb8;
	[tilespmem:$0x18C00] =	vst v63  }
0x7c: {  	_ = 	snop  }
0x7d: {  	[hbm4b:s7+s4] =	stream.indirect_vreg.scatter [tilespmem:s12], [sflag:$0x5], $0x80, v4, vm0, $0xb8;
	[tilespmem:$0x18C00] =	vst v63  }
0x7e: {  	_ = 	snop  }
0x7f: {  	[hbm4b:s3+s4] =	stream.indirect_vreg.scatter [tilespmem:s30], [sflag:$0x5], $0x80, v3, vm0, $0xb8;
	[tilespmem:$0x18C00] =	vst v63  }
0x80: {  	_ = 	snop  }
0x81: {  	[hbm4b:s5+s4] =	stream.indirect_vreg.scatter [tilespmem:s31], [sflag:$0x5], $0x80, v3, vm0, $0xb8;
	[tilespmem:$0x18C00] =	vst v63  }
0x82: {  	_ = 	snop  }
0x83: {  	[hbm4b:s6+s4] =	stream.indirect_vreg.scatter [tilespmem:s0], [sflag:$0x5], $0x80, v3, vm0, $0xb8;
	[tilespmem:$0x18C00] =	vst v63  }
0x84: {  	_ = 	snop  }
0x85: {  	[hbm4b:s7+s4] =	stream.indirect_vreg.scatter [tilespmem:s26], [sflag:$0x5], $0x80, v3, vm0, $0xb8;
	[tilespmem:$0x18C00] =	vst v63  }
0x86: {  	v3 =	vld [tilespmem:$0x910];
	_ =	sdelay $0x4  }
0x87: {  	v15 =	vshll.u32 v3, $0x3  }
0x88: {  	v3 =	vand.u32 $0x7, v3;
	v4 =	vand.u32 $0xFFFFFFC0, v15  }
0x89: {  	v3 =	vor.u32 v3, v4  }
0x8a: {  	v4 =	vperm.xlane v3, v0;
	_ =	sdelay $0x1  }
0x8b: {  	v4 =	vadd.s32 v1, v4;
	_ =	sdelay $0x4  }
0x8c: {  	[hbm4b:s3+s4] =	stream.indirect_vreg.scatter [tilespmem:s14], [sflag:$0x5], $0x80, v4, vm0, $0xb8;
	[tilespmem:$0x18C00] =	vst v63  }
0x8d: {  	v3 =	vperm.xlane v3, v2  }
0x8e: {  	[hbm4b:s5+s4] =	stream.indirect_vreg.scatter [tilespmem:s15], [sflag:$0x5], $0x80, v4, vm0, $0xb8;
	[tilespmem:$0x18C00] =	vst v63  }
0x8f: {  	v3 =	vadd.s32 v1, v3  }
0x90: {  	[hbm4b:s6+s4] =	stream.indirect_vreg.scatter [tilespmem:s16], [sflag:$0x5], $0x80, v4, vm0, $0xb8;
	[tilespmem:$0x18C00] =	vst v63  }
0x91: {  	_ = 	snop  }
0x92: {  	[hbm4b:s7+s4] =	stream.indirect_vreg.scatter [tilespmem:s17], [sflag:$0x5], $0x80, v4, vm0, $0xb8;
	[tilespmem:$0x18C00] =	vst v63  }
0x93: {  	_ = 	snop  }
0x94: {  	[hbm4b:s3+s4] =	stream.indirect_vreg.scatter [tilespmem:s18], [sflag:$0x5], $0x80, v3, vm0, $0xb8;
	[tilespmem:$0x18C00] =	vst v63  }
0x95: {  	_ = 	snop  }
0x96: {  	[hbm4b:s5+s4] =	stream.indirect_vreg.scatter [tilespmem:s19], [sflag:$0x5], $0x80, v3, vm0, $0xb8;
	[tilespmem:$0x18C00] =	vst v63  }
0x97: {  	_ = 	snop  }
0x98: {  	[hbm4b:s6+s4] =	stream.indirect_vreg.scatter [tilespmem:s20], [sflag:$0x5], $0x80, v3, vm0, $0xb8;
	[tilespmem:$0x18C00] =	vst v63  }
0x99: {  	_ = 	snop  }
0x9a: {  	[hbm4b:s7+s4] =	stream.indirect_vreg.scatter [tilespmem:s21], [sflag:$0x5], $0x80, v3, vm0, $0xb8;
	[tilespmem:$0x18C00] =	vst v63  }
0x9b: {  	v3 =	vld [tilespmem:$0x980];
	_ =	sdelay $0x4  }
0x9c: {  	v16 =	vshll.u32 v3, $0x3  }
0x9d: {  	v3 =	vand.u32 $0x7, v3;
	v4 =	vand.u32 $0xFFFFFFC0, v16  }
0x9e: {  	v3 =	vor.u32 v3, v4  }
0x9f: {  	v4 =	vperm.xlane v3, v0;
	_ =	sdelay $0x1  }
0xa0: {  	v4 =	vadd.s32 v1, v4;
	_ =	sdelay $0x4  }
0xa1: {  	[hbm4b:s3+s4] =	stream.indirect_vreg.scatter [tilespmem:s22], [sflag:$0x5], $0x80, v4, vm0, $0xb8;
	[tilespmem:$0x18C00] =	vst v63  }
0xa2: {  	v3 =	vperm.xlane v3, v2  }
0xa3: {  	[hbm4b:s5+s4] =	stream.indirect_vreg.scatter [tilespmem:s23], [sflag:$0x5], $0x80, v4, vm0, $0xb8;
	[tilespmem:$0x18C00] =	vst v63  }
0xa4: {  	v3 =	vadd.s32 v1, v3  }
0xa5: {  	[hbm4b:s6+s4] =	stream.indirect_vreg.scatter [tilespmem:s24], [sflag:$0x5], $0x80, v4, vm0, $0xb8;
	[tilespmem:$0x18C00] =	vst v63  }
0xa6: {  	_ = 	snop  }
0xa7: {  	[hbm4b:s7+s4] =	stream.indirect_vreg.scatter [tilespmem:s12], [sflag:$0x5], $0x80, v4, vm0, $0xb8;
	[tilespmem:$0x18C00] =	vst v63  }
0xa8: {  	_ = 	snop  }
0xa9: {  	[hbm4b:s3+s4] =	stream.indirect_vreg.scatter [tilespmem:s30], [sflag:$0x5], $0x80, v3, vm0, $0xb8;
	[tilespmem:$0x18C00] =	vst v63  }
0xaa: {  	_ = 	snop  }
0xab: {  	[hbm4b:s5+s4] =	stream.indirect_vreg.scatter [tilespmem:s31], [sflag:$0x5], $0x80, v3, vm0, $0xb8;
	[tilespmem:$0x18C00] =	vst v63  }
0xac: {  	_ = 	snop  }
0xad: {  	[hbm4b:s6+s4] =	stream.indirect_vreg.scatter [tilespmem:s0], [sflag:$0x5], $0x80, v3, vm0, $0xb8;
	[tilespmem:$0x18C00] =	vst v63  }
0xae: {  	_ = 	snop  }
0xaf: {  	[hbm4b:s7+s4] =	stream.indirect_vreg.scatter [tilespmem:s26], [sflag:$0x5], $0x80, v3, vm0, $0xb8;
	[tilespmem:$0x18C00] =	vst v63  }
0xb0: {  	v3 =	vld [tilespmem:$0x990];
	_ =	sdelay $0x4  }
0xb1: {  	v17 =	vshll.u32 v3, $0x3  }
0xb2: {  	v3 =	vand.u32 $0x7, v3;
	v4 =	vand.u32 $0xFFFFFFC0, v17  }
0xb3: {  	v3 =	vor.u32 v3, v4  }
0xb4: {  	v4 =	vperm.xlane v3, v0;
	_ =	sdelay $0x1  }
0xb5: {  	v4 =	vadd.s32 v1, v4;
	_ =	sdelay $0x4  }
0xb6: {  	[hbm4b:s3+s4] =	stream.indirect_vreg.scatter [tilespmem:s14], [sflag:$0x5], $0x80, v4, vm0, $0xb8;
	[tilespmem:$0x18C00] =	vst v63  }
0xb7: {  	v3 =	vperm.xlane v3, v2  }
0xb8: {  	[hbm4b:s5+s4] =	stream.indirect_vreg.scatter [tilespmem:s15], [sflag:$0x5], $0x80, v4, vm0, $0xb8;
	[tilespmem:$0x18C00] =	vst v63  }
0xb9: {  	v3 =	vadd.s32 v1, v3  }
0xba: {  	[hbm4b:s6+s4] =	stream.indirect_vreg.scatter [tilespmem:s16], [sflag:$0x5], $0x80, v4, vm0, $0xb8;
	[tilespmem:$0x18C00] =	vst v63  }
0xbb: {  	_ = 	snop  }
0xbc: {  	[hbm4b:s7+s4] =	stream.indirect_vreg.scatter [tilespmem:s17], [sflag:$0x5], $0x80, v4, vm0, $0xb8;
	[tilespmem:$0x18C00] =	vst v63  }
0xbd: {  	_ = 	snop  }
0xbe: {  	[hbm4b:s3+s4] =	stream.indirect_vreg.scatter [tilespmem:s18], [sflag:$0x5], $0x80, v3, vm0, $0xb8;
	[tilespmem:$0x18C00] =	vst v63  }
0xbf: {  	_ = 	snop  }
0xc0: {  	[hbm4b:s5+s4] =	stream.indirect_vreg.scatter [tilespmem:s19], [sflag:$0x5], $0x80, v3, vm0, $0xb8;
	[tilespmem:$0x18C00] =	vst v63  }
0xc1: {  	_ = 	snop  }
0xc2: {  	[hbm4b:s6+s4] =	stream.indirect_vreg.scatter [tilespmem:s20], [sflag:$0x5], $0x80, v3, vm0, $0xb8;
	[tilespmem:$0x18C00] =	vst v63  }
0xc3: {  	_ = 	snop  }
0xc4: {  	[hbm4b:s7+s4] =	stream.indirect_vreg.scatter [tilespmem:s21], [sflag:$0x5], $0x80, v3, vm0, $0xb8;
	[tilespmem:$0x18C00] =	vst v63  }
0xc5: {  	v3 =	vld [tilespmem:$0xA00];
	_ =	sdelay $0x4  }
0xc6: {  	v18 =	vshll.u32 v3, $0x3  }
0xc7: {  	v3 =	vand.u32 $0x7, v3;
	v4 =	vand.u32 $0xFFFFFFC0, v18  }
0xc8: {  	v3 =	vor.u32 v3, v4  }
0xc9: {  	v4 =	vperm.xlane v3, v0;
	_ =	sdelay $0x1  }
0xca: {  	v4 =	vadd.s32 v1, v4;
	_ =	sdelay $0x4  }
0xcb: {  	[hbm4b:s3+s4] =	stream.indirect_vreg.scatter [tilespmem:s22], [sflag:$0x5], $0x80, v4, vm0, $0xb8;
	[tilespmem:$0x18C00] =	vst v63  }
0xcc: {  	v3 =	vperm.xlane v3, v2  }
0xcd: {  	[hbm4b:s5+s4] =	stream.indirect_vreg.scatter [tilespmem:s23], [sflag:$0x5], $0x80, v4, vm0, $0xb8;
	[tilespmem:$0x18C00] =	vst v63  }
0xce: {  	v3 =	vadd.s32 v1, v3  }
0xcf: {  	[hbm4b:s6+s4] =	stream.indirect_vreg.scatter [tilespmem:s24], [sflag:$0x5], $0x80, v4, vm0, $0xb8;
	[tilespmem:$0x18C00] =	vst v63  }
0xd0: {  	_ = 	snop  }
0xd1: {  	[hbm4b:s7+s4] =	stream.indirect_vreg.scatter [tilespmem:s12], [sflag:$0x5], $0x80, v4, vm0, $0xb8;
	[tilespmem:$0x18C00] =	vst v63  }
0xd2: {  	_ = 	snop  }
0xd3: {  	[hbm4b:s3+s4] =	stream.indirect_vreg.scatter [tilespmem:s30], [sflag:$0x5], $0x80, v3, vm0, $0xb8;
	[tilespmem:$0x18C00] =	vst v63  }
0xd4: {  	_ = 	snop  }
0xd5: {  	[hbm4b:s5+s4] =	stream.indirect_vreg.scatter [tilespmem:s31], [sflag:$0x5], $0x80, v3, vm0, $0xb8;
	[tilespmem:$0x18C00] =	vst v63  }
0xd6: {  	_ = 	snop  }
0xd7: {  	[hbm4b:s6+s4] =	stream.indirect_vreg.scatter [tilespmem:s0], [sflag:$0x5], $0x80, v3, vm0, $0xb8;
	[tilespmem:$0x18C00] =	vst v63  }
0xd8: {  	_ = 	snop  }
0xd9: {  	[hbm4b:s7+s4] =	stream.indirect_vreg.scatter [tilespmem:s26], [sflag:$0x5], $0x80, v3, vm0, $0xb8;
	[tilespmem:$0x18C00] =	vst v63  }
0xda: {  	v3 =	vld [tilespmem:$0xA10];
	_ =	sdelay $0x4  }
0xdb: {  	v19 =	vshll.u32 v3, $0x3  }
0xdc: {  	v3 =	vand.u32 $0x7, v3;
	v4 =	vand.u32 $0xFFFFFFC0, v19  }
0xdd: {  	v3 =	vor.u32 v3, v4  }
0xde: {  	v4 =	vperm.xlane v3, v0;
	_ =	sdelay $0x1  }
0xdf: {  	v4 =	vadd.s32 v1, v4;
	_ =	sdelay $0x4  }
0xe0: {  	[hbm4b:s3+s4] =	stream.indirect_vreg.scatter [tilespmem:s14], [sflag:$0x5], $0x80, v4, vm0, $0xb8;
	[tilespmem:$0x18C00] =	vst v63  }
0xe1: {  	v3 =	vperm.xlane v3, v2  }
0xe2: {  	[hbm4b:s5+s4] =	stream.indirect_vreg.scatter [tilespmem:s15], [sflag:$0x5], $0x80, v4, vm0, $0xb8;
	[tilespmem:$0x18C00] =	vst v63  }
0xe3: {  	v3 =	vadd.s32 v1, v3  }
0xe4: {  	[hbm4b:s6+s4] =	stream.indirect_vreg.scatter [tilespmem:s16], [sflag:$0x5], $0x80, v4, vm0, $0xb8;
	[tilespmem:$0x18C00] =	vst v63  }
0xe5: {  	_ = 	snop  }
0xe6: {  	[hbm4b:s7+s4] =	stream.indirect_vreg.scatter [tilespmem:s17], [sflag:$0x5], $0x80, v4, vm0, $0xb8;
	[tilespmem:$0x18C00] =	vst v63  }
0xe7: {  	_ = 	snop  }
0xe8: {  	[hbm4b:s3+s4] =	stream.indirect_vreg.scatter [tilespmem:s18], [sflag:$0x5], $0x80, v3, vm0, $0xb8;
	[tilespmem:$0x18C00] =	vst v63  }
0xe9: {  	_ = 	snop  }
0xea: {  	[hbm4b:s5+s4] =	stream.indirect_vreg.scatter [tilespmem:s19], [sflag:$0x5], $0x80, v3, vm0, $0xb8;
	[tilespmem:$0x18C00] =	vst v63  }
0xeb: {  	_ = 	snop  }
0xec: {  	[hbm4b:s6+s4] =	stream.indirect_vreg.scatter [tilespmem:s20], [sflag:$0x5], $0x80, v3, vm0, $0xb8;
	[tilespmem:$0x18C00] =	vst v63  }
0xed: {  	_ = 	snop  }
0xee: {  	[hbm4b:s7+s4] =	stream.indirect_vreg.scatter [tilespmem:s21], [sflag:$0x5], $0x80, v3, vm0, $0xb8;
	[tilespmem:$0x18C00] =	vst v63  }
0xef: {  	v3 =	vld [tilespmem:$0xA80];
	_ =	sdelay $0x4  }
0xf0: {  	v20 =	vshll.u32 v3, $0x3  }
0xf1: {  	v3 =	vand.u32 $0x7, v3;
	v4 =	vand.u32 $0xFFFFFFC0, v20  }
0xf2: {  	v3 =	vor.u32 v3, v4  }
0xf3: {  	v4 =	vperm.xlane v3, v0;
	_ =	sdelay $0x1  }
0xf4: {  	v4 =	vadd.s32 v1, v4;
	_ =	sdelay $0x4  }
0xf5: {  	[hbm4b:s3+s4] =	stream.indirect_vreg.scatter [tilespmem:s22], [sflag:$0x5], $0x80, v4, vm0, $0xb8;
	[tilespmem:$0x18C00] =	vst v63  }
0xf6: {  	v3 =	vperm.xlane v3, v2  }
0xf7: {  	[hbm4b:s5+s4] =	stream.indirect_vreg.scatter [tilespmem:s23], [sflag:$0x5], $0x80, v4, vm0, $0xb8;
	[tilespmem:$0x18C00] =	vst v63  }
0xf8: {  	v3 =	vadd.s32 v1, v3  }
0xf9: {  	[hbm4b:s6+s4] =	stream.indirect_vreg.scatter [tilespmem:s24], [sflag:$0x5], $0x80, v4, vm0, $0xb8;
	[tilespmem:$0x18C00] =	vst v63  }
0xfa: {  	_ = 	snop  }
0xfb: {  	[hbm4b:s7+s4] =	stream.indirect_vreg.scatter [tilespmem:s12], [sflag:$0x5], $0x80, v4, vm0, $0xb8;
	[tilespmem:$0x18C00] =	vst v63  }
0xfc: {  	_ = 	snop  }
0xfd: {  	[hbm4b:s3+s4] =	stream.indirect_vreg.scatter [tilespmem:s30], [sflag:$0x5], $0x80, v3, vm0, $0xb8;
	[tilespmem:$0x18C00] =	vst v63  }
0xfe: {  	_ = 	snop  }
0xff: {  	[hbm4b:s5+s4] =	stream.indirect_vreg.scatter [tilespmem:s31], [sflag:$0x5], $0x80, v3, vm0, $0xb8;
	[tilespmem:$0x18C00] =	vst v63  }
0x100: {  	_ = 	snop  }
0x101: {  	[hbm4b:s6+s4] =	stream.indirect_vreg.scatter [tilespmem:s0], [sflag:$0x5], $0x80, v3, vm0, $0xb8;
	[tilespmem:$0x18C00] =	vst v63  }
0x102: {  	_ = 	snop  }
0x103: {  	[hbm4b:s7+s4] =	stream.indirect_vreg.scatter [tilespmem:s26], [sflag:$0x5], $0x80, v3, vm0, $0xb8;
	[tilespmem:$0x18C00] =	vst v63  }
0x104: {  	v3 =	vld [tilespmem:$0xA90];
	_ =	sdelay $0x4  }
0x105: {  	v21 =	vshll.u32 v3, $0x3  }
0x106: {  	v3 =	vand.u32 $0x7, v3;
	v4 =	vand.u32 $0xFFFFFFC0, v21  }
0x107: {  	v3 =	vor.u32 v3, v4  }
0x108: {  	v4 =	vperm.xlane v3, v0;
	_ =	sdelay $0x1  }
0x109: {  	v4 =	vadd.s32 v1, v4;
	_ =	sdelay $0x4  }
0x10a: {  	[hbm4b:s3+s4] =	stream.indirect_vreg.scatter [tilespmem:s14], [sflag:$0x5], $0x80, v4, vm0, $0xb8;
	[tilespmem:$0x18C00] =	vst v63  }
0x10b: {  	v3 =	vperm.xlane v3, v2  }
0x10c: {  	[hbm4b:s5+s4] =	stream.indirect_vreg.scatter [tilespmem:s15], [sflag:$0x5], $0x80, v4, vm0, $0xb8;
	[tilespmem:$0x18C00] =	vst v63  }
0x10d: {  	v3 =	vadd.s32 v1, v3  }
0x10e: {  	[hbm4b:s6+s4] =	stream.indirect_vreg.scatter [tilespmem:s16], [sflag:$0x5], $0x80, v4, vm0, $0xb8;
	[tilespmem:$0x18C00] =	vst v63  }
0x10f: {  	_ = 	snop  }
0x110: {  	[hbm4b:s7+s4] =	stream.indirect_vreg.scatter [tilespmem:s17], [sflag:$0x5], $0x80, v4, vm0, $0xb8;
	[tilespmem:$0x18C00] =	vst v63  }
0x111: {  	_ = 	snop  }
0x112: {  	[hbm4b:s3+s4] =	stream.indirect_vreg.scatter [tilespmem:s18], [sflag:$0x5], $0x80, v3, vm0, $0xb8;
	[tilespmem:$0x18C00] =	vst v63  }
0x113: {  	_ = 	snop  }
0x114: {  	[hbm4b:s5+s4] =	stream.indirect_vreg.scatter [tilespmem:s19], [sflag:$0x5], $0x80, v3, vm0, $0xb8;
	[tilespmem:$0x18C00] =	vst v63  }
0x115: {  	_ = 	snop  }
0x116: {  	[hbm4b:s6+s4] =	stream.indirect_vreg.scatter [tilespmem:s20], [sflag:$0x5], $0x80, v3, vm0, $0xb8;
	[tilespmem:$0x18C00] =	vst v63  }
0x117: {  	_ = 	snop  }
0x118: {  	[hbm4b:s7+s4] =	stream.indirect_vreg.scatter [tilespmem:s21], [sflag:$0x5], $0x80, v3, vm0, $0xb8;
	[tilespmem:$0x18C00] =	vst v63  }
0x119: {  	v3 =	vld [tilespmem:$0xB00];
	_ =	sdelay $0x4  }
0x11a: {  	v22 =	vshll.u32 v3, $0x3  }
0x11b: {  	v3 =	vand.u32 $0x7, v3;
	v4 =	vand.u32 $0xFFFFFFC0, v22  }
0x11c: {  	v3 =	vor.u32 v3, v4  }
0x11d: {  	v4 =	vperm.xlane v3, v0;
	_ =	sdelay $0x1  }
0x11e: {  	v4 =	vadd.s32 v1, v4;
	_ =	sdelay $0x4  }
0x11f: {  	[hbm4b:s3+s4] =	stream.indirect_vreg.scatter [tilespmem:s22], [sflag:$0x5], $0x80, v4, vm0, $0xb8;
	[tilespmem:$0x18C00] =	vst v63  }
0x120: {  	v3 =	vperm.xlane v3, v2  }
0x121: {  	[hbm4b:s5+s4] =	stream.indirect_vreg.scatter [tilespmem:s23], [sflag:$0x5], $0x80, v4, vm0, $0xb8;
	[tilespmem:$0x18C00] =	vst v63  }
0x122: {  	v3 =	vadd.s32 v1, v3  }
0x123: {  	[hbm4b:s6+s4] =	stream.indirect_vreg.scatter [tilespmem:s24], [sflag:$0x5], $0x80, v4, vm0, $0xb8;
	[tilespmem:$0x18C00] =	vst v63  }
0x124: {  	_ = 	snop  }
0x125: {  	[hbm4b:s7+s4] =	stream.indirect_vreg.scatter [tilespmem:s12], [sflag:$0x5], $0x80, v4, vm0, $0xb8;
	[tilespmem:$0x18C00] =	vst v63  }
0x126: {  	_ = 	snop  }
0x127: {  	[hbm4b:s3+s4] =	stream.indirect_vreg.scatter [tilespmem:s30], [sflag:$0x5], $0x80, v3, vm0, $0xb8;
	[tilespmem:$0x18C00] =	vst v63  }
0x128: {  	_ = 	snop  }
0x129: {  	[hbm4b:s5+s4] =	stream.indirect_vreg.scatter [tilespmem:s31], [sflag:$0x5], $0x80, v3, vm0, $0xb8;
	[tilespmem:$0x18C00] =	vst v63  }
0x12a: {  	_ = 	snop  }
0x12b: {  	[hbm4b:s6+s4] =	stream.indirect_vreg.scatter [tilespmem:s0], [sflag:$0x5], $0x80, v3, vm0, $0xb8;
	[tilespmem:$0x18C00] =	vst v63  }
0x12c: {  	_ = 	snop  }
0x12d: {  	[hbm4b:s7+s4] =	stream.indirect_vreg.scatter [tilespmem:s26], [sflag:$0x5], $0x80, v3, vm0, $0xb8;
	[tilespmem:$0x18C00] =	vst v63  }
0x12e: {  	v3 =	vld [tilespmem:$0xB10];
	_ =	sdelay $0x4  }
0x12f: {  	v23 =	vshll.u32 v3, $0x3  }
0x130: {  	v3 =	vand.u32 $0x7, v3;
	v4 =	vand.u32 $0xFFFFFFC0, v23  }
0x131: {  	v3 =	vor.u32 v3, v4  }
0x132: {  	v4 =	vperm.xlane v3, v0;
	_ =	sdelay $0x1  }
0x133: {  	v4 =	vadd.s32 v1, v4;
	_ =	sdelay $0x4  }
0x134: {  	[hbm4b:s3+s4] =	stream.indirect_vreg.scatter [tilespmem:s14], [sflag:$0x5], $0x80, v4, vm0, $0xb8;
	[tilespmem:$0x18C00] =	vst v63  }
0x135: {  	v3 =	vperm.xlane v3, v2  }
0x136: {  	[hbm4b:s5+s4] =	stream.indirect_vreg.scatter [tilespmem:s15], [sflag:$0x5], $0x80, v4, vm0, $0xb8;
	[tilespmem:$0x18C00] =	vst v63  }
0x137: {  	v3 =	vadd.s32 v1, v3  }
0x138: {  	[hbm4b:s6+s4] =	stream.indirect_vreg.scatter [tilespmem:s16], [sflag:$0x5], $0x80, v4, vm0, $0xb8;
	[tilespmem:$0x18C00] =	vst v63  }
0x139: {  	_ = 	snop  }
0x13a: {  	[hbm4b:s7+s4] =	stream.indirect_vreg.scatter [tilespmem:s17], [sflag:$0x5], $0x80, v4, vm0, $0xb8;
	[tilespmem:$0x18C00] =	vst v63  }
0x13b: {  	_ = 	snop  }
0x13c: {  	[hbm4b:s3+s4] =	stream.indirect_vreg.scatter [tilespmem:s18], [sflag:$0x5], $0x80, v3, vm0, $0xb8;
	[tilespmem:$0x18C00] =	vst v63  }
0x13d: {  	_ = 	snop  }
0x13e: {  	[hbm4b:s5+s4] =	stream.indirect_vreg.scatter [tilespmem:s19], [sflag:$0x5], $0x80, v3, vm0, $0xb8;
	[tilespmem:$0x18C00] =	vst v63  }
0x13f: {  	_ = 	snop  }
0x140: {  	[hbm4b:s6+s4] =	stream.indirect_vreg.scatter [tilespmem:s20], [sflag:$0x5], $0x80, v3, vm0, $0xb8;
	[tilespmem:$0x18C00] =	vst v63  }
0x141: {  	_ = 	snop  }
0x142: {  	[hbm4b:s7+s4] =	stream.indirect_vreg.scatter [tilespmem:s21], [sflag:$0x5], $0x80, v3, vm0, $0xb8;
	[tilespmem:$0x18C00] =	vst v63  }
0x143: {  	v3 =	vld [tilespmem:$0x0];
	_ =	sdelay $0x4  }
0x144: {  	v24 =	vshll.u32 v3, $0x3  }
0x145: {  	v3 =	vand.u32 $0x7, v3;
	v4 =	vand.u32 $0xFFFFFFC0, v24  }
0x146: {  	v3 =	vor.u32 v3, v4  }
0x147: {  	v4 =	vperm.xlane v3, v0;
	_ =	sdelay $0x1  }
0x148: {  	v4 =	vadd.s32 v1, v4;
	_ =	sdelay $0x3  }
0x149: {  	s31 =	simm.s32 $0x8C00  }
0x14a: {  	[tilespmem:s31], [sflag:$0x1] =	stream.indirect_vreg.gather [hbm4b:s25+s4], $0x80, v4, vm0, $0xb8;
	[tilespmem:$0x18C00] =	vst v63  }
0x14b: {  	s1 =	simm.s32 $0x9400;
	v3 =	vperm.xlane v3, v2  }
0x14c: {  	[tilespmem:s1], [sflag:$0x1] =	stream.indirect_vreg.gather [hbm4b:s8+s4], $0x80, v4, vm0, $0xb8;
	[tilespmem:$0x18C00] =	vst v63  }
0x14d: {  	s2 =	simm.s32 $0x9C00;
	v3 =	vadd.s32 v1, v3  }
0x14e: {  	[tilespmem:s2], [sflag:$0x1] =	stream.indirect_vreg.gather [hbm4b:s9+s4], $0x80, v4, vm0, $0xb8;
	[tilespmem:$0x18C00] =	vst v63  }
0x14f: {  	s11 =	simm.s32 $0xA400  }
0x150: {  	[tilespmem:s11], [sflag:$0x1] =	stream.indirect_vreg.gather [hbm4b:s10+s4], $0x80, v4, vm0, $0xb8;
	[tilespmem:$0x18C00] =	vst v63  }
0x151: {  	s12 =	simm.s32 $0xAC00  }
0x152: {  	[tilespmem:s12], [sflag:$0x1] =	stream.indirect_vreg.gather [hbm4b:s25+s4], $0x80, v3, vm0, $0xb8;
	[tilespmem:$0x18C00] =	vst v63  }
0x153: {  	s13 =	simm.s32 $0xB400  }
0x154: {  	[tilespmem:s13], [sflag:$0x1] =	stream.indirect_vreg.gather [hbm4b:s8+s4], $0x80, v3, vm0, $0xb8;
	[tilespmem:$0x18C00] =	vst v63  }
0x155: {  	s14 =	simm.s32 $0xBC00  }
0x156: {  	[tilespmem:s14], [sflag:$0x1] =	stream.indirect_vreg.gather [hbm4b:s9+s4], $0x80, v3, vm0, $0xb8;
	[tilespmem:$0x18C00] =	vst v63  }
0x157: {  	s15 =	simm.s32 $0xC400  }
0x158: {  	[tilespmem:s15], [sflag:$0x1] =	stream.indirect_vreg.gather [hbm4b:s10+s4], $0x80, v3, vm0, $0xb8;
	[tilespmem:$0x18C00] =	vst v63  }
0x159: {  	v3 =	vld [tilespmem:$0x10];
	_ =	sdelay $0x4  }
0x15a: {  	v25 =	vshll.u32 v3, $0x3  }
0x15b: {  	v3 =	vand.u32 $0x7, v3;
	v4 =	vand.u32 $0xFFFFFFC0, v25  }
0x15c: {  	v3 =	vor.u32 v3, v4  }
0x15d: {  	v4 =	vperm.xlane v3, v0;
	_ =	sdelay $0x1  }
0x15e: {  	v4 =	vadd.s32 v1, v4;
	_ =	sdelay $0x3  }
0x15f: {  	s16 =	simm.s32 $0xCC00  }
0x160: {  	[tilespmem:s16], [sflag:$0x1] =	stream.indirect_vreg.gather [hbm4b:s25+s4], $0x80, v4, vm0, $0xb8;
	[tilespmem:$0x18C00] =	vst v63  }
0x161: {  	s17 =	simm.s32 $0xD400;
	v3 =	vperm.xlane v3, v2  }
0x162: {  	[tilespmem:s17], [sflag:$0x1] =	stream.indirect_vreg.gather [hbm4b:s8+s4], $0x80, v4, vm0, $0xb8;
	[tilespmem:$0x18C00] =	vst v63  }
0x163: {  	s18 =	simm.s32 $0xDC00;
	v3 =	vadd.s32 v1, v3  }
0x164: {  	[tilespmem:s18], [sflag:$0x1] =	stream.indirect_vreg.gather [hbm4b:s9+s4], $0x80, v4, vm0, $0xb8;
	[tilespmem:$0x18C00] =	vst v63  }
0x165: {  	s19 =	simm.s32 $0xE400  }
0x166: {  	[tilespmem:s19], [sflag:$0x1] =	stream.indirect_vreg.gather [hbm4b:s10+s4], $0x80, v4, vm0, $0xb8;
	[tilespmem:$0x18C00] =	vst v63  }
0x167: {  	s20 =	simm.s32 $0xEC00  }
0x168: {  	[tilespmem:s20], [sflag:$0x1] =	stream.indirect_vreg.gather [hbm4b:s25+s4], $0x80, v3, vm0, $0xb8;
	[tilespmem:$0x18C00] =	vst v63  }
0x169: {  	s21 =	simm.s32 $0xF400  }
0x16a: {  	[tilespmem:s21], [sflag:$0x1] =	stream.indirect_vreg.gather [hbm4b:s8+s4], $0x80, v3, vm0, $0xb8;
	[tilespmem:$0x18C00] =	vst v63  }
0x16b: {  	s22 =	simm.s32 $0xFC00  }
0x16c: {  	[tilespmem:s22], [sflag:$0x1] =	stream.indirect_vreg.gather [hbm4b:s9+s4], $0x80, v3, vm0, $0xb8;
	[tilespmem:$0x18C00] =	vst v63  }
0x16d: {  	s29 =	simm.s32 $0x1;
	s23 =	simm.s32 $0x10400  }
0x16e: {  	[tilespmem:s23], [sflag:$0x1] =	stream.indirect_vreg.gather [hbm4b:s10+s4], $0x80, v3, vm0, $0xb8;
	[tilespmem:$0x18C00] =	vst v63  }
0x16f: {  	_ =	swait.ge [sflag:s29], $0x8000  }
0x170: {  	[sflag:s29] =	ssyncset.done $0x0  }
0x171: {  	[sflag:s29] =	ssyncadd.s32 $0xFFFF8000  }
0x172: {  	v3 =	vld [tilespmem:$0x80];
	_ =	sdelay $0x4  }
0x173: {  	v26 =	vshll.u32 v3, $0x3  }
0x174: {  	v3 =	vand.u32 $0x7, v3;
	v4 =	vand.u32 $0xFFFFFFC0, v26  }
0x175: {  	v3 =	vor.u32 v3, v4  }
0x176: {  	v4 =	vperm.xlane v3, v0;
	_ =	sdelay $0x1  }
0x177: {  	v4 =	vadd.s32 v1, v4;
	_ =	sdelay $0x3  }
0x178: {  	s24 =	simm.s32 $0x10C00  }
0x179: {  	[tilespmem:s24], [sflag:$0x2] =	stream.indirect_vreg.gather [hbm4b:s25+s4], $0x80, v4, vm0, $0xb8;
	[tilespmem:$0x18C00] =	vst v63  }
0x17a: {  	s26 =	simm.s32 $0x11400;
	v3 =	vperm.xlane v3, v2  }
0x17b: {  	[tilespmem:s26], [sflag:$0x2] =	stream.indirect_vreg.gather [hbm4b:s8+s4], $0x80, v4, vm0, $0xb8;
	[tilespmem:$0x18C00] =	vst v63  }
0x17c: {  	s28 =	simm.s32 $0x11C00;
	v3 =	vadd.s32 v1, v3  }
0x17d: {  	[tilespmem:s28], [sflag:$0x2] =	stream.indirect_vreg.gather [hbm4b:s9+s4], $0x80, v4, vm0, $0xb8;
	[tilespmem:$0x18C00] =	vst v63  }
0x17e: {  	s30 =	simm.s32 $0x12400  }
0x17f: {  	[tilespmem:s30], [sflag:$0x2] =	stream.indirect_vreg.gather [hbm4b:s10+s4], $0x80, v4, vm0, $0xb8;
	[tilespmem:$0x18C00] =	vst v63  }
0x180: {  	s31 =	simm.s32 $0x12C00  }
0x181: {  	[tilespmem:s31], [sflag:$0x2] =	stream.indirect_vreg.gather [hbm4b:s25+s4], $0x80, v3, vm0, $0xb8;
	[tilespmem:$0x18C00] =	vst v63  }
0x182: {  	s1 =	simm.s32 $0x13400  }
0x183: {  	[tilespmem:s1], [sflag:$0x2] =	stream.indirect_vreg.gather [hbm4b:s8+s4], $0x80, v3, vm0, $0xb8;
	[tilespmem:$0x18C00] =	vst v63  }
0x184: {  	s2 =	simm.s32 $0x13C00  }
0x185: {  	[tilespmem:s2], [sflag:$0x2] =	stream.indirect_vreg.gather [hbm4b:s9+s4], $0x80, v3, vm0, $0xb8;
	[tilespmem:$0x18C00] =	vst v63  }
0x186: {  	s11 =	simm.s32 $0x14400  }
0x187: {  	[tilespmem:s11], [sflag:$0x2] =	stream.indirect_vreg.gather [hbm4b:s10+s4], $0x80, v3, vm0, $0xb8;
	[tilespmem:$0x18C00] =	vst v63  }
0x188: {  	v3 =	vld [tilespmem:$0x90];
	_ =	sdelay $0x4  }
0x189: {  	v27 =	vshll.u32 v3, $0x3  }
0x18a: {  	v3 =	vand.u32 $0x7, v3;
	v4 =	vand.u32 $0xFFFFFFC0, v27  }
0x18b: {  	v3 =	vor.u32 v3, v4  }
0x18c: {  	v4 =	vperm.xlane v3, v0;
	_ =	sdelay $0x1  }
0x18d: {  	v4 =	vadd.s32 v1, v4;
	_ =	sdelay $0x3  }
0x18e: {  	s12 =	simm.s32 $0x14C00  }
0x18f: {  	[tilespmem:s12], [sflag:$0x2] =	stream.indirect_vreg.gather [hbm4b:s25+s4], $0x80, v4, vm0, $0xb8;
	[tilespmem:$0x18C00] =	vst v63  }
0x190: {  	s13 =	simm.s32 $0x15400;
	v3 =	vperm.xlane v3, v2  }
0x191: {  	[tilespmem:s13], [sflag:$0x2] =	stream.indirect_vreg.gather [hbm4b:s8+s4], $0x80, v4, vm0, $0xb8;
	[tilespmem:$0x18C00] =	vst v63  }
0x192: {  	s14 =	simm.s32 $0x15C00;
	v3 =	vadd.s32 v1, v3  }
0x193: {  	[tilespmem:s14], [sflag:$0x2] =	stream.indirect_vreg.gather [hbm4b:s9+s4], $0x80, v4, vm0, $0xb8;
	[tilespmem:$0x18C00] =	vst v63  }
0x194: {  	s15 =	simm.s32 $0x16400  }
0x195: {  	[tilespmem:s15], [sflag:$0x2] =	stream.indirect_vreg.gather [hbm4b:s10+s4], $0x80, v4, vm0, $0xb8;
	[tilespmem:$0x18C00] =	vst v63  }
0x196: {  	s16 =	simm.s32 $0x16C00  }
0x197: {  	[tilespmem:s16], [sflag:$0x2] =	stream.indirect_vreg.gather [hbm4b:s25+s4], $0x80, v3, vm0, $0xb8;
	[tilespmem:$0x18C00] =	vst v63  }
0x198: {  	s17 =	simm.s32 $0x17400  }
0x199: {  	[tilespmem:s17], [sflag:$0x2] =	stream.indirect_vreg.gather [hbm4b:s8+s4], $0x80, v3, vm0, $0xb8;
	[tilespmem:$0x18C00] =	vst v63  }
0x19a: {  	s18 =	simm.s32 $0x17C00  }
0x19b: {  	[tilespmem:s18], [sflag:$0x2] =	stream.indirect_vreg.gather [hbm4b:s9+s4], $0x80, v3, vm0, $0xb8;
	[tilespmem:$0x18C00] =	vst v63  }
0x19c: {  	s19 =	simm.s32 $0x18400  }
0x19d: {  	[tilespmem:s19], [sflag:$0x2] =	stream.indirect_vreg.gather [hbm4b:s10+s4], $0x80, v3, vm0, $0xb8;
	[tilespmem:$0x18C00] =	vst v63  }
0x19e: {  	v3 =	vld [tilespmem:$0x0];
	_ =	sdelay $0x4  }
0x19f: {  	v28 =	vshll.u32 v3, $0x3  }
0x1a0: {  	v3 =	vand.u32 $0x7, v3;
	v4 =	vand.u32 $0xFFFFFFC0, v28  }
0x1a1: {  	v3 =	vor.u32 v3, v4  }
0x1a2: {  	v4 =	vperm.xlane v3, v0;
	_ =	sdelay $0x1  }
0x1a3: {  	v4 =	vadd.s32 v1, v4;
	_ =	sdelay $0x3  }
0x1a4: {  	s20 =	simm.s32 $0x8C00  }
0x1a5: {  	[hbm4b:s3+s4] =	stream.indirect_vreg.scatter [tilespmem:s20], [sflag:$0x3], $0x80, v4, vm0, $0xb8;
	[tilespmem:$0x18C00] =	vst v63  }
0x1a6: {  	s0 =	simm.s32 $0x9400;
	v3 =	vperm.xlane v3, v2  }
0x1a7: {  	[hbm4b:s5+s4] =	stream.indirect_vreg.scatter [tilespmem:s0], [sflag:$0x3], $0x80, v4, vm0, $0xb8;
	[tilespmem:$0x18C00] =	vst v63  }
0x1a8: {  	s2 =	simm.s32 $0x9C00;
	v3 =	vadd.s32 v1, v3  }
0x1a9: {  	[hbm4b:s6+s4] =	stream.indirect_vreg.scatter [tilespmem:s2], [sflag:$0x3], $0x80, v4, vm0, $0xb8;
	[tilespmem:$0x18C00] =	vst v63  }
0x1aa: {  	s1 =	simm.s32 $0xA400  }
0x1ab: {  	[hbm4b:s7+s4] =	stream.indirect_vreg.scatter [tilespmem:s1], [sflag:$0x3], $0x80, v4, vm0, $0xb8;
	[tilespmem:$0x18C00] =	vst v63  }
0x1ac: {  	s12 =	simm.s32 $0xAC00  }
0x1ad: {  	[hbm4b:s3+s4] =	stream.indirect_vreg.scatter [tilespmem:s12], [sflag:$0x3], $0x80, v3, vm0, $0xb8;
	[tilespmem:$0x18C00] =	vst v63  }
0x1ae: {  	s11 =	simm.s32 $0xB400  }
0x1af: {  	[hbm4b:s5+s4] =	stream.indirect_vreg.scatter [tilespmem:s11], [sflag:$0x3], $0x80, v3, vm0, $0xb8;
	[tilespmem:$0x18C00] =	vst v63  }
0x1b0: {  	s14 =	simm.s32 $0xBC00  }
0x1b1: {  	[hbm4b:s6+s4] =	stream.indirect_vreg.scatter [tilespmem:s14], [sflag:$0x3], $0x80, v3, vm0, $0xb8;
	[tilespmem:$0x18C00] =	vst v63  }
0x1b2: {  	s15 =	simm.s32 $0xC400  }
0x1b3: {  	[hbm4b:s7+s4] =	stream.indirect_vreg.scatter [tilespmem:s15], [sflag:$0x3], $0x80, v3, vm0, $0xb8;
	[tilespmem:$0x18C00] =	vst v63  }
0x1b4: {  	v3 =	vld [tilespmem:$0x10];
	_ =	sdelay $0x4  }
0x1b5: {  	v29 =	vshll.u32 v3, $0x3  }
0x1b6: {  	v3 =	vand.u32 $0x7, v3;
	v4 =	vand.u32 $0xFFFFFFC0, v29  }
0x1b7: {  	v3 =	vor.u32 v3, v4  }
0x1b8: {  	v4 =	vperm.xlane v3, v0;
	_ =	sdelay $0x1  }
0x1b9: {  	v4 =	vadd.s32 v1, v4;
	_ =	sdelay $0x3  }
0x1ba: {  	s16 =	simm.s32 $0xCC00  }
0x1bb: {  	[hbm4b:s3+s4] =	stream.indirect_vreg.scatter [tilespmem:s16], [sflag:$0x3], $0x80, v4, vm0, $0xb8;
	[tilespmem:$0x18C00] =	vst v63  }
0x1bc: {  	s23 =	simm.s32 $0xD400;
	v3 =	vperm.xlane v3, v2  }
0x1bd: {  	[hbm4b:s5+s4] =	stream.indirect_vreg.scatter [tilespmem:s23], [sflag:$0x3], $0x80, v4, vm0, $0xb8;
	[tilespmem:$0x18C00] =	vst v63  }
0x1be: {  	s17 =	simm.s32 $0xDC00;
	v3 =	vadd.s32 v1, v3  }
0x1bf: {  	[hbm4b:s6+s4] =	stream.indirect_vreg.scatter [tilespmem:s17], [sflag:$0x3], $0x80, v4, vm0, $0xb8;
	[tilespmem:$0x18C00] =	vst v63  }
0x1c0: {  	s21 =	simm.s32 $0xE400  }
0x1c1: {  	[hbm4b:s7+s4] =	stream.indirect_vreg.scatter [tilespmem:s21], [sflag:$0x3], $0x80, v4, vm0, $0xb8;
	[tilespmem:$0x18C00] =	vst v63  }
0x1c2: {  	s24 =	simm.s32 $0xEC00  }
0x1c3: {  	[hbm4b:s3+s4] =	stream.indirect_vreg.scatter [tilespmem:s24], [sflag:$0x3], $0x80, v3, vm0, $0xb8;
	[tilespmem:$0x18C00] =	vst v63  }
0x1c4: {  	s26 =	simm.s32 $0xF400  }
0x1c5: {  	[hbm4b:s5+s4] =	stream.indirect_vreg.scatter [tilespmem:s26], [sflag:$0x3], $0x80, v3, vm0, $0xb8;
	[tilespmem:$0x18C00] =	vst v63  }
0x1c6: {  	s28 =	simm.s32 $0xFC00  }
0x1c7: {  	[hbm4b:s6+s4] =	stream.indirect_vreg.scatter [tilespmem:s28], [sflag:$0x3], $0x80, v3, vm0, $0xb8;
	[tilespmem:$0x18C00] =	vst v63  }
0x1c8: {  	s22 =	simm.s32 $0x10400;
	s30 =	simm.s32 $0x2  }
0x1c9: {  	[hbm4b:s7+s4] =	stream.indirect_vreg.scatter [tilespmem:s22], [sflag:$0x3], $0x80, v3, vm0, $0xb8;
	[tilespmem:$0x18C00] =	vst v63  }
0x1ca: {  	_ =	swait.ge [sflag:s30], $0x8000  }
0x1cb: {  	[sflag:s30] =	ssyncset.done $0x0  }
0x1cc: {  	s31 =	simm.s32 $0x3;
	[sflag:s30] =	ssyncadd.s32 $0xFFFF8000  }
0x1cd: {  	_ =	swait.ge [sflag:s31], $0x8000  }
0x1ce: {  	[sflag:s31] =	ssyncset.done $0x0  }
0x1cf: {  	[sflag:s31] =	ssyncadd.s32 $0xFFFF8000  }
0x1d0: {  	v3 =	vld [tilespmem:$0x100];
	_ =	sdelay $0x4  }
0x1d1: {  	v30 =	vshll.u32 v3, $0x3  }
0x1d2: {  	v3 =	vand.u32 $0x7, v3;
	v4 =	vand.u32 $0xFFFFFFC0, v30  }
0x1d3: {  	v3 =	vor.u32 v3, v4  }
0x1d4: {  	v4 =	vperm.xlane v3, v0;
	_ =	sdelay $0x1  }
0x1d5: {  	v4 =	vadd.s32 v1, v4;
	_ =	sdelay $0x4  }
0x1d6: {  	[tilespmem:s20], [sflag:$0x1] =	stream.indirect_vreg.gather [hbm4b:s25+s4], $0x80, v4, vm0, $0xb8;
	[tilespmem:$0x18C00] =	vst v63  }
0x1d7: {  	v3 =	vperm.xlane v3, v2  }
0x1d8: {  	[tilespmem:s0], [sflag:$0x1] =	stream.indirect_vreg.gather [hbm4b:s8+s4], $0x80, v4, vm0, $0xb8;
	[tilespmem:$0x18C00] =	vst v63  }
0x1d9: {  	v3 =	vadd.s32 v1, v3  }
0x1da: {  	[tilespmem:s2], [sflag:$0x1] =	stream.indirect_vreg.gather [hbm4b:s9+s4], $0x80, v4, vm0, $0xb8;
	[tilespmem:$0x18C00] =	vst v63  }
0x1db: {  	_ = 	snop  }
0x1dc: {  	[tilespmem:s1], [sflag:$0x1] =	stream.indirect_vreg.gather [hbm4b:s10+s4], $0x80, v4, vm0, $0xb8;
	[tilespmem:$0x18C00] =	vst v63  }
0x1dd: {  	_ = 	snop  }
0x1de: {  	[tilespmem:s12], [sflag:$0x1] =	stream.indirect_vreg.gather [hbm4b:s25+s4], $0x80, v3, vm0, $0xb8;
	[tilespmem:$0x18C00] =	vst v63  }
0x1df: {  	_ = 	snop  }
0x1e0: {  	[tilespmem:s11], [sflag:$0x1] =	stream.indirect_vreg.gather [hbm4b:s8+s4], $0x80, v3, vm0, $0xb8;
	[tilespmem:$0x18C00] =	vst v63  }
0x1e1: {  	_ = 	snop  }
0x1e2: {  	[tilespmem:s14], [sflag:$0x1] =	stream.indirect_vreg.gather [hbm4b:s9+s4], $0x80, v3, vm0, $0xb8;
	[tilespmem:$0x18C00] =	vst v63  }
0x1e3: {  	_ = 	snop  }
0x1e4: {  	[tilespmem:s15], [sflag:$0x1] =	stream.indirect_vreg.gather [hbm4b:s10+s4], $0x80, v3, vm0, $0xb8;
	[tilespmem:$0x18C00] =	vst v63  }
0x1e5: {  	v3 =	vld [tilespmem:$0x110];
	_ =	sdelay $0x4  }
0x1e6: {  	v31 =	vshll.u32 v3, $0x3  }
0x1e7: {  	v3 =	vand.u32 $0x7, v3;
	v4 =	vand.u32 $0xFFFFFFC0, v31  }
0x1e8: {  	v3 =	vor.u32 v3, v4  }
0x1e9: {  	v4 =	vperm.xlane v3, v0;
	_ =	sdelay $0x1  }
0x1ea: {  	v4 =	vadd.s32 v1, v4;
	_ =	sdelay $0x4  }
0x1eb: {  	[tilespmem:s16], [sflag:$0x1] =	stream.indirect_vreg.gather [hbm4b:s25+s4], $0x80, v4, vm0, $0xb8;
	[tilespmem:$0x18C00] =	vst v63  }
0x1ec: {  	v3 =	vperm.xlane v3, v2  }
0x1ed: {  	[tilespmem:s23], [sflag:$0x1] =	stream.indirect_vreg.gather [hbm4b:s8+s4], $0x80, v4, vm0, $0xb8;
	[tilespmem:$0x18C00] =	vst v63  }
0x1ee: {  	v3 =	vadd.s32 v1, v3  }
0x1ef: {  	[tilespmem:s17], [sflag:$0x1] =	stream.indirect_vreg.gather [hbm4b:s9+s4], $0x80, v4, vm0, $0xb8;
	[tilespmem:$0x18C00] =	vst v63  }
0x1f0: {  	_ = 	snop  }
0x1f1: {  	[tilespmem:s21], [sflag:$0x1] =	stream.indirect_vreg.gather [hbm4b:s10+s4], $0x80, v4, vm0, $0xb8;
	[tilespmem:$0x18C00] =	vst v63  }
0x1f2: {  	_ = 	snop  }
0x1f3: {  	[tilespmem:s24], [sflag:$0x1] =	stream.indirect_vreg.gather [hbm4b:s25+s4], $0x80, v3, vm0, $0xb8;
	[tilespmem:$0x18C00] =	vst v63  }
0x1f4: {  	_ = 	snop  }
0x1f5: {  	[tilespmem:s26], [sflag:$0x1] =	stream.indirect_vreg.gather [hbm4b:s8+s4], $0x80, v3, vm0, $0xb8;
	[tilespmem:$0x18C00] =	vst v63  }
0x1f6: {  	_ = 	snop  }
0x1f7: {  	[tilespmem:s28], [sflag:$0x1] =	stream.indirect_vreg.gather [hbm4b:s9+s4], $0x80, v3, vm0, $0xb8;
	[tilespmem:$0x18C00] =	vst v63  }
0x1f8: {  	_ = 	snop  }
0x1f9: {  	[tilespmem:s22], [sflag:$0x1] =	stream.indirect_vreg.gather [hbm4b:s10+s4], $0x80, v3, vm0, $0xb8;
	[tilespmem:$0x18C00] =	vst v63  }
0x1fa: {  	v3 =	vld [tilespmem:$0x80];
	_ =	sdelay $0x4  }
0x1fb: {  	v32 =	vshll.u32 v3, $0x3  }
0x1fc: {  	v3 =	vand.u32 $0x7, v3;
	v4 =	vand.u32 $0xFFFFFFC0, v32  }
0x1fd: {  	v3 =	vor.u32 v3, v4  }
0x1fe: {  	v4 =	vperm.xlane v3, v0;
	_ =	sdelay $0x1  }
0x1ff: {  	v4 =	vadd.s32 v1, v4;
	_ =	sdelay $0x3  }
0x200: {  	s23 =	simm.s32 $0x10C00  }
0x201: {  	[hbm4b:s3+s4] =	stream.indirect_vreg.scatter [tilespmem:s23], [sflag:$0x4], $0x80, v4, vm0, $0xb8;
	[tilespmem:$0x18C00] =	vst v63  }
0x202: {  	s0 =	simm.s32 $0x11400;
	v3 =	vperm.xlane v3, v2  }
0x203: {  	[hbm4b:s5+s4] =	stream.indirect_vreg.scatter [tilespmem:s0], [sflag:$0x4], $0x80, v4, vm0, $0xb8;
	[tilespmem:$0x18C00] =	vst v63  }
0x204: {  	s14 =	simm.s32 $0x11C00;
	v3 =	vadd.s32 v1, v3  }
0x205: {  	[hbm4b:s6+s4] =	stream.indirect_vreg.scatter [tilespmem:s14], [sflag:$0x4], $0x80, v4, vm0, $0xb8;
	[tilespmem:$0x18C00] =	vst v63  }
0x206: {  	s16 =	simm.s32 $0x12400  }
0x207: {  	[hbm4b:s7+s4] =	stream.indirect_vreg.scatter [tilespmem:s16], [sflag:$0x4], $0x80, v4, vm0, $0xb8;
	[tilespmem:$0x18C00] =	vst v63  }
0x208: {  	s24 =	simm.s32 $0x12C00  }
0x209: {  	[hbm4b:s3+s4] =	stream.indirect_vreg.scatter [tilespmem:s24], [sflag:$0x4], $0x80, v3, vm0, $0xb8;
	[tilespmem:$0x18C00] =	vst v63  }
0x20a: {  	s26 =	simm.s32 $0x13400  }
0x20b: {  	[hbm4b:s5+s4] =	stream.indirect_vreg.scatter [tilespmem:s26], [sflag:$0x4], $0x80, v3, vm0, $0xb8;
	[tilespmem:$0x18C00] =	vst v63  }
0x20c: {  	s17 =	simm.s32 $0x13C00  }
0x20d: {  	[hbm4b:s6+s4] =	stream.indirect_vreg.scatter [tilespmem:s17], [sflag:$0x4], $0x80, v3, vm0, $0xb8;
	[tilespmem:$0x18C00] =	vst v63  }
0x20e: {  	s18 =	simm.s32 $0x14400  }
0x20f: {  	[hbm4b:s7+s4] =	stream.indirect_vreg.scatter [tilespmem:s18], [sflag:$0x4], $0x80, v3, vm0, $0xb8;
	[tilespmem:$0x18C00] =	vst v63  }
0x210: {  	v3 =	vld [tilespmem:$0x90];
	_ =	sdelay $0x4  }
0x211: {  	v33 =	vshll.u32 v3, $0x3  }
0x212: {  	v3 =	vand.u32 $0x7, v3;
	v4 =	vand.u32 $0xFFFFFFC0, v33  }
0x213: {  	v3 =	vor.u32 v3, v4  }
0x214: {  	v4 =	vperm.xlane v3, v0;
	_ =	sdelay $0x1  }
0x215: {  	v4 =	vadd.s32 v1, v4;
	_ =	sdelay $0x3  }
0x216: {  	s1 =	simm.s32 $0x14C00  }
0x217: {  	[hbm4b:s3+s4] =	stream.indirect_vreg.scatter [tilespmem:s1], [sflag:$0x4], $0x80, v4, vm0, $0xb8;
	[tilespmem:$0x18C00] =	vst v63  }
0x218: {  	s2 =	simm.s32 $0x15400;
	v3 =	vperm.xlane v3, v2  }
0x219: {  	[hbm4b:s5+s4] =	stream.indirect_vreg.scatter [tilespmem:s2], [sflag:$0x4], $0x80, v4, vm0, $0xb8;
	[tilespmem:$0x18C00] =	vst v63  }
0x21a: {  	s11 =	simm.s32 $0x15C00;
	v3 =	vadd.s32 v1, v3  }
0x21b: {  	[hbm4b:s6+s4] =	stream.indirect_vreg.scatter [tilespmem:s11], [sflag:$0x4], $0x80, v4, vm0, $0xb8;
	[tilespmem:$0x18C00] =	vst v63  }
0x21c: {  	s12 =	simm.s32 $0x16400  }
0x21d: {  	[hbm4b:s7+s4] =	stream.indirect_vreg.scatter [tilespmem:s12], [sflag:$0x4], $0x80, v4, vm0, $0xb8;
	[tilespmem:$0x18C00] =	vst v63  }
0x21e: {  	s13 =	simm.s32 $0x16C00  }
0x21f: {  	[hbm4b:s3+s4] =	stream.indirect_vreg.scatter [tilespmem:s13], [sflag:$0x4], $0x80, v3, vm0, $0xb8;
	[tilespmem:$0x18C00] =	vst v63  }
0x220: {  	s19 =	simm.s32 $0x17400  }
0x221: {  	[hbm4b:s5+s4] =	stream.indirect_vreg.scatter [tilespmem:s19], [sflag:$0x4], $0x80, v3, vm0, $0xb8;
	[tilespmem:$0x18C00] =	vst v63  }
0x222: {  	s21 =	simm.s32 $0x17C00  }
0x223: {  	[hbm4b:s6+s4] =	stream.indirect_vreg.scatter [tilespmem:s21], [sflag:$0x4], $0x80, v3, vm0, $0xb8;
	[tilespmem:$0x18C00] =	vst v63  }
0x224: {  	s22 =	simm.s32 $0x18400  }
0x225: {  	[hbm4b:s7+s4] =	stream.indirect_vreg.scatter [tilespmem:s22], [sflag:$0x4], $0x80, v3, vm0, $0xb8;
	[tilespmem:$0x18C00] =	vst v63  }
0x226: {  	_ =	swait.ge [sflag:s29], $0x8000  }
0x227: {  	[sflag:s29] =	ssyncset.done $0x0  }
0x228: {  	s28 =	simm.s32 $0x4;
	[sflag:s29] =	ssyncadd.s32 $0xFFFF8000  }
0x229: {  	_ =	swait.ge [sflag:s28], $0x8000  }
0x22a: {  	[sflag:s28] =	ssyncset.done $0x0  }
0x22b: {  	[sflag:s28] =	ssyncadd.s32 $0xFFFF8000  }
0x22c: {  	v3 =	vld [tilespmem:$0x180];
	_ =	sdelay $0x4  }
0x22d: {  	v34 =	vshll.u32 v3, $0x3  }
0x22e: {  	v3 =	vand.u32 $0x7, v3;
	v4 =	vand.u32 $0xFFFFFFC0, v34  }
0x22f: {  	v3 =	vor.u32 v3, v4  }
0x230: {  	v4 =	vperm.xlane v3, v0;
	_ =	sdelay $0x1  }
0x231: {  	v4 =	vadd.s32 v1, v4;
	_ =	sdelay $0x4  }
0x232: {  	[tilespmem:s23], [sflag:$0x2] =	stream.indirect_vreg.gather [hbm4b:s25+s4], $0x80, v4, vm0, $0xb8;
	[tilespmem:$0x18C00] =	vst v63  }
0x233: {  	v3 =	vperm.xlane v3, v2  }
0x234: {  	[tilespmem:s0], [sflag:$0x2] =	stream.indirect_vreg.gather [hbm4b:s8+s4], $0x80, v4, vm0, $0xb8;
	[tilespmem:$0x18C00] =	vst v63  }
0x235: {  	v3 =	vadd.s32 v1, v3  }
0x236: {  	[tilespmem:s14], [sflag:$0x2] =	stream.indirect_vreg.gather [hbm4b:s9+s4], $0x80, v4, vm0, $0xb8;
	[tilespmem:$0x18C00] =	vst v63  }
0x237: {  	_ = 	snop  }
0x238: {  	[tilespmem:s16], [sflag:$0x2] =	stream.indirect_vreg.gather [hbm4b:s10+s4], $0x80, v4, vm0, $0xb8;
	[tilespmem:$0x18C00] =	vst v63  }
0x239: {  	_ = 	snop  }
0x23a: {  	[tilespmem:s24], [sflag:$0x2] =	stream.indirect_vreg.gather [hbm4b:s25+s4], $0x80, v3, vm0, $0xb8;
	[tilespmem:$0x18C00] =	vst v63  }
0x23b: {  	_ = 	snop  }
0x23c: {  	[tilespmem:s26], [sflag:$0x2] =	stream.indirect_vreg.gather [hbm4b:s8+s4], $0x80, v3, vm0, $0xb8;
	[tilespmem:$0x18C00] =	vst v63  }
0x23d: {  	_ = 	snop  }
0x23e: {  	[tilespmem:s17], [sflag:$0x2] =	stream.indirect_vreg.gather [hbm4b:s9+s4], $0x80, v3, vm0, $0xb8;
	[tilespmem:$0x18C00] =	vst v63  }
0x23f: {  	_ = 	snop  }
0x240: {  	[tilespmem:s18], [sflag:$0x2] =	stream.indirect_vreg.gather [hbm4b:s10+s4], $0x80, v3, vm0, $0xb8;
	[tilespmem:$0x18C00] =	vst v63  }
0x241: {  	v3 =	vld [tilespmem:$0x190];
	_ =	sdelay $0x4  }
0x242: {  	v35 =	vshll.u32 v3, $0x3  }
0x243: {  	v3 =	vand.u32 $0x7, v3;
	v4 =	vand.u32 $0xFFFFFFC0, v35  }
0x244: {  	v3 =	vor.u32 v3, v4  }
0x245: {  	v4 =	vperm.xlane v3, v0;
	_ =	sdelay $0x1  }
0x246: {  	v4 =	vadd.s32 v1, v4;
	_ =	sdelay $0x4  }
0x247: {  	[tilespmem:s1], [sflag:$0x2] =	stream.indirect_vreg.gather [hbm4b:s25+s4], $0x80, v4, vm0, $0xb8;
	[tilespmem:$0x18C00] =	vst v63  }
0x248: {  	v3 =	vperm.xlane v3, v2  }
0x249: {  	[tilespmem:s2], [sflag:$0x2] =	stream.indirect_vreg.gather [hbm4b:s8+s4], $0x80, v4, vm0, $0xb8;
	[tilespmem:$0x18C00] =	vst v63  }
0x24a: {  	v3 =	vadd.s32 v1, v3  }
0x24b: {  	[tilespmem:s11], [sflag:$0x2] =	stream.indirect_vreg.gather [hbm4b:s9+s4], $0x80, v4, vm0, $0xb8;
	[tilespmem:$0x18C00] =	vst v63  }
0x24c: {  	_ = 	snop  }
0x24d: {  	[tilespmem:s12], [sflag:$0x2] =	stream.indirect_vreg.gather [hbm4b:s10+s4], $0x80, v4, vm0, $0xb8;
	[tilespmem:$0x18C00] =	vst v63  }
0x24e: {  	_ = 	snop  }
0x24f: {  	[tilespmem:s13], [sflag:$0x2] =	stream.indirect_vreg.gather [hbm4b:s25+s4], $0x80, v3, vm0, $0xb8;
	[tilespmem:$0x18C00] =	vst v63  }
0x250: {  	_ = 	snop  }
0x251: {  	[tilespmem:s19], [sflag:$0x2] =	stream.indirect_vreg.gather [hbm4b:s8+s4], $0x80, v3, vm0, $0xb8;
	[tilespmem:$0x18C00] =	vst v63  }
0x252: {  	_ = 	snop  }
0x253: {  	[tilespmem:s21], [sflag:$0x2] =	stream.indirect_vreg.gather [hbm4b:s9+s4], $0x80, v3, vm0, $0xb8;
	[tilespmem:$0x18C00] =	vst v63  }
0x254: {  	_ = 	snop  }
0x255: {  	[tilespmem:s22], [sflag:$0x2] =	stream.indirect_vreg.gather [hbm4b:s10+s4], $0x80, v3, vm0, $0xb8;
	[tilespmem:$0x18C00] =	vst v63  }
0x256: {  	v3 =	vld [tilespmem:$0x100];
	_ =	sdelay $0x4  }
0x257: {  	v36 =	vshll.u32 v3, $0x3  }
0x258: {  	v3 =	vand.u32 $0x7, v3;
	v4 =	vand.u32 $0xFFFFFFC0, v36  }
0x259: {  	v3 =	vor.u32 v3, v4  }
0x25a: {  	v4 =	vperm.xlane v3, v0;
	_ =	sdelay $0x1  }
0x25b: {  	v4 =	vadd.s32 v1, v4;
	_ =	sdelay $0x3  }
0x25c: {  	s15 =	simm.s32 $0x8C00  }
0x25d: {  	[hbm4b:s3+s4] =	stream.indirect_vreg.scatter [tilespmem:s15], [sflag:$0x3], $0x80, v4, vm0, $0xb8;
	[tilespmem:$0x18C00] =	vst v63  }
0x25e: {  	s18 =	simm.s32 $0x9400;
	v3 =	vperm.xlane v3, v2  }
0x25f: {  	[hbm4b:s5+s4] =	stream.indirect_vreg.scatter [tilespmem:s18], [sflag:$0x3], $0x80, v4, vm0, $0xb8;
	[tilespmem:$0x18C00] =	vst v63  }
0x260: {  	s19 =	simm.s32 $0x9C00;
	v3 =	vadd.s32 v1, v3  }
0x261: {  	[hbm4b:s6+s4] =	stream.indirect_vreg.scatter [tilespmem:s19], [sflag:$0x3], $0x80, v4, vm0, $0xb8;
	[tilespmem:$0x18C00] =	vst v63  }
0x262: {  	s20 =	simm.s32 $0xA400  }
0x263: {  	[hbm4b:s7+s4] =	stream.indirect_vreg.scatter [tilespmem:s20], [sflag:$0x3], $0x80, v4, vm0, $0xb8;
	[tilespmem:$0x18C00] =	vst v63  }
0x264: {  	s0 =	simm.s32 $0xAC00  }
0x265: {  	[hbm4b:s3+s4] =	stream.indirect_vreg.scatter [tilespmem:s0], [sflag:$0x3], $0x80, v3, vm0, $0xb8;
	[tilespmem:$0x18C00] =	vst v63  }
0x266: {  	s16 =	simm.s32 $0xB400  }
0x267: {  	[hbm4b:s5+s4] =	stream.indirect_vreg.scatter [tilespmem:s16], [sflag:$0x3], $0x80, v3, vm0, $0xb8;
	[tilespmem:$0x18C00] =	vst v63  }
0x268: {  	s17 =	simm.s32 $0xBC00  }
0x269: {  	[hbm4b:s6+s4] =	stream.indirect_vreg.scatter [tilespmem:s17], [sflag:$0x3], $0x80, v3, vm0, $0xb8;
	[tilespmem:$0x18C00] =	vst v63  }
0x26a: {  	s21 =	simm.s32 $0xC400  }
0x26b: {  	[hbm4b:s7+s4] =	stream.indirect_vreg.scatter [tilespmem:s21], [sflag:$0x3], $0x80, v3, vm0, $0xb8;
	[tilespmem:$0x18C00] =	vst v63  }
0x26c: {  	v3 =	vld [tilespmem:$0x110];
	_ =	sdelay $0x4  }
0x26d: {  	v37 =	vshll.u32 v3, $0x3  }
0x26e: {  	v3 =	vand.u32 $0x7, v3;
	v4 =	vand.u32 $0xFFFFFFC0, v37  }
0x26f: {  	v3 =	vor.u32 v3, v4  }
0x270: {  	v4 =	vperm.xlane v3, v0;
	_ =	sdelay $0x1  }
0x271: {  	v4 =	vadd.s32 v1, v4;
	_ =	sdelay $0x3  }
0x272: {  	s11 =	simm.s32 $0xCC00  }
0x273: {  	[hbm4b:s3+s4] =	stream.indirect_vreg.scatter [tilespmem:s11], [sflag:$0x3], $0x80, v4, vm0, $0xb8;
	[tilespmem:$0x18C00] =	vst v63  }
0x274: {  	s12 =	simm.s32 $0xD400;
	v3 =	vperm.xlane v3, v2  }
0x275: {  	[hbm4b:s5+s4] =	stream.indirect_vreg.scatter [tilespmem:s12], [sflag:$0x3], $0x80, v4, vm0, $0xb8;
	[tilespmem:$0x18C00] =	vst v63  }
0x276: {  	s13 =	simm.s32 $0xDC00;
	v3 =	vadd.s32 v1, v3  }
0x277: {  	[hbm4b:s6+s4] =	stream.indirect_vreg.scatter [tilespmem:s13], [sflag:$0x3], $0x80, v4, vm0, $0xb8;
	[tilespmem:$0x18C00] =	vst v63  }
0x278: {  	s14 =	simm.s32 $0xE400  }
0x279: {  	[hbm4b:s7+s4] =	stream.indirect_vreg.scatter [tilespmem:s14], [sflag:$0x3], $0x80, v4, vm0, $0xb8;
	[tilespmem:$0x18C00] =	vst v63  }
0x27a: {  	s22 =	simm.s32 $0xEC00  }
0x27b: {  	[hbm4b:s3+s4] =	stream.indirect_vreg.scatter [tilespmem:s22], [sflag:$0x3], $0x80, v3, vm0, $0xb8;
	[tilespmem:$0x18C00] =	vst v63  }
0x27c: {  	s23 =	simm.s32 $0xF400  }
0x27d: {  	[hbm4b:s5+s4] =	stream.indirect_vreg.scatter [tilespmem:s23], [sflag:$0x3], $0x80, v3, vm0, $0xb8;
	[tilespmem:$0x18C00] =	vst v63  }
0x27e: {  	s24 =	simm.s32 $0xFC00  }
0x27f: {  	[hbm4b:s6+s4] =	stream.indirect_vreg.scatter [tilespmem:s24], [sflag:$0x3], $0x80, v3, vm0, $0xb8;
	[tilespmem:$0x18C00] =	vst v63  }
0x280: {  	s26 =	simm.s32 $0x10400  }
0x281: {  	[hbm4b:s7+s4] =	stream.indirect_vreg.scatter [tilespmem:s26], [sflag:$0x3], $0x80, v3, vm0, $0xb8;
	[tilespmem:$0x18C00] =	vst v63  }
0x282: {  	_ =	swait.ge [sflag:s30], $0x8000  }
0x283: {  	[sflag:s30] =	ssyncset.done $0x0  }
0x284: {  	[sflag:s30] =	ssyncadd.s32 $0xFFFF8000  }
0x285: {  	_ =	swait.ge [sflag:s31], $0x8000  }
0x286: {  	[sflag:s31] =	ssyncset.done $0x0  }
0x287: {  	[sflag:s31] =	ssyncadd.s32 $0xFFFF8000  }
0x288: {  	v3 =	vld [tilespmem:$0x200];
	_ =	sdelay $0x4  }
0x289: {  	v38 =	vshll.u32 v3, $0x3  }
0x28a: {  	v3 =	vand.u32 $0x7, v3;
	v4 =	vand.u32 $0xFFFFFFC0, v38  }
0x28b: {  	v3 =	vor.u32 v3, v4  }
0x28c: {  	v4 =	vperm.xlane v3, v0;
	_ =	sdelay $0x1  }
0x28d: {  	v4 =	vadd.s32 v1, v4;
	_ =	sdelay $0x4  }
0x28e: {  	[tilespmem:s15], [sflag:$0x1] =	stream.indirect_vreg.gather [hbm4b:s25+s4], $0x80, v4, vm0, $0xb8;
	[tilespmem:$0x18C00] =	vst v63  }
0x28f: {  	v3 =	vperm.xlane v3, v2  }
0x290: {  	[tilespmem:s18], [sflag:$0x1] =	stream.indirect_vreg.gather [hbm4b:s8+s4], $0x80, v4, vm0, $0xb8;
	[tilespmem:$0x18C00] =	vst v63  }
0x291: {  	v3 =	vadd.s32 v1, v3  }
0x292: {  	[tilespmem:s19], [sflag:$0x1] =	stream.indirect_vreg.gather [hbm4b:s9+s4], $0x80, v4, vm0, $0xb8;
	[tilespmem:$0x18C00] =	vst v63  }
0x293: {  	_ = 	snop  }
0x294: {  	[tilespmem:s20], [sflag:$0x1] =	stream.indirect_vreg.gather [hbm4b:s10+s4], $0x80, v4, vm0, $0xb8;
	[tilespmem:$0x18C00] =	vst v63  }
0x295: {  	_ = 	snop  }
0x296: {  	[tilespmem:s0], [sflag:$0x1] =	stream.indirect_vreg.gather [hbm4b:s25+s4], $0x80, v3, vm0, $0xb8;
	[tilespmem:$0x18C00] =	vst v63  }
0x297: {  	_ = 	snop  }
0x298: {  	[tilespmem:s16], [sflag:$0x1] =	stream.indirect_vreg.gather [hbm4b:s8+s4], $0x80, v3, vm0, $0xb8;
	[tilespmem:$0x18C00] =	vst v63  }
0x299: {  	_ = 	snop  }
0x29a: {  	[tilespmem:s17], [sflag:$0x1] =	stream.indirect_vreg.gather [hbm4b:s9+s4], $0x80, v3, vm0, $0xb8;
	[tilespmem:$0x18C00] =	vst v63  }
0x29b: {  	_ = 	snop  }
0x29c: {  	[tilespmem:s21], [sflag:$0x1] =	stream.indirect_vreg.gather [hbm4b:s10+s4], $0x80, v3, vm0, $0xb8;
	[tilespmem:$0x18C00] =	vst v63  }
0x29d: {  	v3 =	vld [tilespmem:$0x210];
	_ =	sdelay $0x4  }
0x29e: {  	v39 =	vshll.u32 v3, $0x3  }
0x29f: {  	v3 =	vand.u32 $0x7, v3;
	v4 =	vand.u32 $0xFFFFFFC0, v39  }
0x2a0: {  	v3 =	vor.u32 v3, v4  }
0x2a1: {  	v4 =	vperm.xlane v3, v0;
	_ =	sdelay $0x1  }
0x2a2: {  	v4 =	vadd.s32 v1, v4;
	_ =	sdelay $0x4  }
0x2a3: {  	[tilespmem:s11], [sflag:$0x1] =	stream.indirect_vreg.gather [hbm4b:s25+s4], $0x80, v4, vm0, $0xb8;
	[tilespmem:$0x18C00] =	vst v63  }
0x2a4: {  	v3 =	vperm.xlane v3, v2  }
0x2a5: {  	[tilespmem:s12], [sflag:$0x1] =	stream.indirect_vreg.gather [hbm4b:s8+s4], $0x80, v4, vm0, $0xb8;
	[tilespmem:$0x18C00] =	vst v63  }
0x2a6: {  	v3 =	vadd.s32 v1, v3  }
0x2a7: {  	[tilespmem:s13], [sflag:$0x1] =	stream.indirect_vreg.gather [hbm4b:s9+s4], $0x80, v4, vm0, $0xb8;
	[tilespmem:$0x18C00] =	vst v63  }
0x2a8: {  	_ = 	snop  }
0x2a9: {  	[tilespmem:s14], [sflag:$0x1] =	stream.indirect_vreg.gather [hbm4b:s10+s4], $0x80, v4, vm0, $0xb8;
	[tilespmem:$0x18C00] =	vst v63  }
0x2aa: {  	_ = 	snop  }
0x2ab: {  	[tilespmem:s22], [sflag:$0x1] =	stream.indirect_vreg.gather [hbm4b:s25+s4], $0x80, v3, vm0, $0xb8;
	[tilespmem:$0x18C00] =	vst v63  }
0x2ac: {  	_ = 	snop  }
0x2ad: {  	[tilespmem:s23], [sflag:$0x1] =	stream.indirect_vreg.gather [hbm4b:s8+s4], $0x80, v3, vm0, $0xb8;
	[tilespmem:$0x18C00] =	vst v63  }
0x2ae: {  	_ = 	snop  }
0x2af: {  	[tilespmem:s24], [sflag:$0x1] =	stream.indirect_vreg.gather [hbm4b:s9+s4], $0x80, v3, vm0, $0xb8;
	[tilespmem:$0x18C00] =	vst v63  }
0x2b0: {  	_ = 	snop  }
0x2b1: {  	[tilespmem:s26], [sflag:$0x1] =	stream.indirect_vreg.gather [hbm4b:s10+s4], $0x80, v3, vm0, $0xb8;
	[tilespmem:$0x18C00] =	vst v63  }
0x2b2: {  	v3 =	vld [tilespmem:$0x180];
	_ =	sdelay $0x4  }
0x2b3: {  	v40 =	vshll.u32 v3, $0x3  }
0x2b4: {  	v3 =	vand.u32 $0x7, v3;
	v4 =	vand.u32 $0xFFFFFFC0, v40  }
0x2b5: {  	v3 =	vor.u32 v3, v4  }
0x2b6: {  	v4 =	vperm.xlane v3, v0;
	_ =	sdelay $0x1  }
0x2b7: {  	v4 =	vadd.s32 v1, v4;
	_ =	sdelay $0x3  }
0x2b8: {  	s2 =	simm.s32 $0x10C00  }
0x2b9: {  	[hbm4b:s3+s4] =	stream.indirect_vreg.scatter [tilespmem:s2], [sflag:$0x4], $0x80, v4, vm0, $0xb8;
	[tilespmem:$0x18C00] =	vst v63  }
0x2ba: {  	s13 =	simm.s32 $0x11400;
	v3 =	vperm.xlane v3, v2  }
0x2bb: {  	[hbm4b:s5+s4] =	stream.indirect_vreg.scatter [tilespmem:s13], [sflag:$0x4], $0x80, v4, vm0, $0xb8;
	[tilespmem:$0x18C00] =	vst v63  }
0x2bc: {  	s20 =	simm.s32 $0x11C00;
	v3 =	vadd.s32 v1, v3  }
0x2bd: {  	[hbm4b:s6+s4] =	stream.indirect_vreg.scatter [tilespmem:s20], [sflag:$0x4], $0x80, v4, vm0, $0xb8;
	[tilespmem:$0x18C00] =	vst v63  }
0x2be: {  	s22 =	simm.s32 $0x12400  }
0x2bf: {  	[hbm4b:s7+s4] =	stream.indirect_vreg.scatter [tilespmem:s22], [sflag:$0x4], $0x80, v4, vm0, $0xb8;
	[tilespmem:$0x18C00] =	vst v63  }
0x2c0: {  	s24 =	simm.s32 $0x12C00  }
0x2c1: {  	[hbm4b:s3+s4] =	stream.indirect_vreg.scatter [tilespmem:s24], [sflag:$0x4], $0x80, v3, vm0, $0xb8;
	[tilespmem:$0x18C00] =	vst v63  }
0x2c2: {  	s15 =	simm.s32 $0x13400  }
0x2c3: {  	[hbm4b:s5+s4] =	stream.indirect_vreg.scatter [tilespmem:s15], [sflag:$0x4], $0x80, v3, vm0, $0xb8;
	[tilespmem:$0x18C00] =	vst v63  }
0x2c4: {  	s16 =	simm.s32 $0x13C00  }
0x2c5: {  	[hbm4b:s6+s4] =	stream.indirect_vreg.scatter [tilespmem:s16], [sflag:$0x4], $0x80, v3, vm0, $0xb8;
	[tilespmem:$0x18C00] =	vst v63  }
0x2c6: {  	s17 =	simm.s32 $0x14400  }
0x2c7: {  	[hbm4b:s7+s4] =	stream.indirect_vreg.scatter [tilespmem:s17], [sflag:$0x4], $0x80, v3, vm0, $0xb8;
	[tilespmem:$0x18C00] =	vst v63  }
0x2c8: {  	v3 =	vld [tilespmem:$0x190];
	_ =	sdelay $0x4  }
0x2c9: {  	v41 =	vshll.u32 v3, $0x3  }
0x2ca: {  	v3 =	vand.u32 $0x7, v3;
	v4 =	vand.u32 $0xFFFFFFC0, v41  }
0x2cb: {  	v3 =	vor.u32 v3, v4  }
0x2cc: {  	v4 =	vperm.xlane v3, v0;
	_ =	sdelay $0x1  }
0x2cd: {  	v4 =	vadd.s32 v1, v4;
	_ =	sdelay $0x3  }
0x2ce: {  	s23 =	simm.s32 $0x14C00  }
0x2cf: {  	[hbm4b:s3+s4] =	stream.indirect_vreg.scatter [tilespmem:s23], [sflag:$0x4], $0x80, v4, vm0, $0xb8;
	[tilespmem:$0x18C00] =	vst v63  }
0x2d0: {  	s0 =	simm.s32 $0x15400;
	v3 =	vperm.xlane v3, v2  }
0x2d1: {  	[hbm4b:s5+s4] =	stream.indirect_vreg.scatter [tilespmem:s0], [sflag:$0x4], $0x80, v4, vm0, $0xb8;
	[tilespmem:$0x18C00] =	vst v63  }
0x2d2: {  	s1 =	simm.s32 $0x15C00;
	v3 =	vadd.s32 v1, v3  }
0x2d3: {  	[hbm4b:s6+s4] =	stream.indirect_vreg.scatter [tilespmem:s1], [sflag:$0x4], $0x80, v4, vm0, $0xb8;
	[tilespmem:$0x18C00] =	vst v63  }
0x2d4: {  	s11 =	simm.s32 $0x16400  }
0x2d5: {  	[hbm4b:s7+s4] =	stream.indirect_vreg.scatter [tilespmem:s11], [sflag:$0x4], $0x80, v4, vm0, $0xb8;
	[tilespmem:$0x18C00] =	vst v63  }
0x2d6: {  	s12 =	simm.s32 $0x16C00  }
0x2d7: {  	[hbm4b:s3+s4] =	stream.indirect_vreg.scatter [tilespmem:s12], [sflag:$0x4], $0x80, v3, vm0, $0xb8;
	[tilespmem:$0x18C00] =	vst v63  }
0x2d8: {  	s18 =	simm.s32 $0x17400  }
0x2d9: {  	[hbm4b:s5+s4] =	stream.indirect_vreg.scatter [tilespmem:s18], [sflag:$0x4], $0x80, v3, vm0, $0xb8;
	[tilespmem:$0x18C00] =	vst v63  }
0x2da: {  	s21 =	simm.s32 $0x17C00  }
0x2db: {  	[hbm4b:s6+s4] =	stream.indirect_vreg.scatter [tilespmem:s21], [sflag:$0x4], $0x80, v3, vm0, $0xb8;
	[tilespmem:$0x18C00] =	vst v63  }
0x2dc: {  	s26 =	simm.s32 $0x18400  }
0x2dd: {  	[hbm4b:s7+s4] =	stream.indirect_vreg.scatter [tilespmem:s26], [sflag:$0x4], $0x80, v3, vm0, $0xb8;
	[tilespmem:$0x18C00] =	vst v63  }
0x2de: {  	_ =	swait.ge [sflag:s29], $0x8000  }
0x2df: {  	[sflag:s29] =	ssyncset.done $0x0  }
0x2e0: {  	[sflag:s29] =	ssyncadd.s32 $0xFFFF8000  }
0x2e1: {  	_ =	swait.ge [sflag:s28], $0x8000  }
0x2e2: {  	[sflag:s28] =	ssyncset.done $0x0  }
0x2e3: {  	[sflag:s28] =	ssyncadd.s32 $0xFFFF8000  }
0x2e4: {  	v3 =	vld [tilespmem:$0x280];
	_ =	sdelay $0x4  }
0x2e5: {  	v42 =	vshll.u32 v3, $0x3  }
0x2e6: {  	v3 =	vand.u32 $0x7, v3;
	v4 =	vand.u32 $0xFFFFFFC0, v42  }
0x2e7: {  	v3 =	vor.u32 v3, v4  }
0x2e8: {  	v4 =	vperm.xlane v3, v0;
	_ =	sdelay $0x1  }
0x2e9: {  	v4 =	vadd.s32 v1, v4;
	_ =	sdelay $0x4  }
0x2ea: {  	[tilespmem:s2], [sflag:$0x2] =	stream.indirect_vreg.gather [hbm4b:s25+s4], $0x80, v4, vm0, $0xb8;
	[tilespmem:$0x18C00] =	vst v63  }
0x2eb: {  	v3 =	vperm.xlane v3, v2  }
0x2ec: {  	[tilespmem:s13], [sflag:$0x2] =	stream.indirect_vreg.gather [hbm4b:s8+s4], $0x80, v4, vm0, $0xb8;
	[tilespmem:$0x18C00] =	vst v63  }
0x2ed: {  	v3 =	vadd.s32 v1, v3  }
0x2ee: {  	[tilespmem:s20], [sflag:$0x2] =	stream.indirect_vreg.gather [hbm4b:s9+s4], $0x80, v4, vm0, $0xb8;
	[tilespmem:$0x18C00] =	vst v63  }
0x2ef: {  	_ = 	snop  }
0x2f0: {  	[tilespmem:s22], [sflag:$0x2] =	stream.indirect_vreg.gather [hbm4b:s10+s4], $0x80, v4, vm0, $0xb8;
	[tilespmem:$0x18C00] =	vst v63  }
0x2f1: {  	_ = 	snop  }
0x2f2: {  	[tilespmem:s24], [sflag:$0x2] =	stream.indirect_vreg.gather [hbm4b:s25+s4], $0x80, v3, vm0, $0xb8;
	[tilespmem:$0x18C00] =	vst v63  }
0x2f3: {  	_ = 	snop  }
0x2f4: {  	[tilespmem:s15], [sflag:$0x2] =	stream.indirect_vreg.gather [hbm4b:s8+s4], $0x80, v3, vm0, $0xb8;
	[tilespmem:$0x18C00] =	vst v63  }
0x2f5: {  	_ = 	snop  }
0x2f6: {  	[tilespmem:s16], [sflag:$0x2] =	stream.indirect_vreg.gather [hbm4b:s9+s4], $0x80, v3, vm0, $0xb8;
	[tilespmem:$0x18C00] =	vst v63  }
0x2f7: {  	_ = 	snop  }
0x2f8: {  	[tilespmem:s17], [sflag:$0x2] =	stream.indirect_vreg.gather [hbm4b:s10+s4], $0x80, v3, vm0, $0xb8;
	[tilespmem:$0x18C00] =	vst v63  }
0x2f9: {  	v3 =	vld [tilespmem:$0x290];
	_ =	sdelay $0x4  }
0x2fa: {  	v43 =	vshll.u32 v3, $0x3  }
0x2fb: {  	v3 =	vand.u32 $0x7, v3;
	v4 =	vand.u32 $0xFFFFFFC0, v43  }
0x2fc: {  	v3 =	vor.u32 v3, v4  }
0x2fd: {  	v4 =	vperm.xlane v3, v0;
	_ =	sdelay $0x1  }
0x2fe: {  	v4 =	vadd.s32 v1, v4;
	_ =	sdelay $0x4  }
0x2ff: {  	[tilespmem:s23], [sflag:$0x2] =	stream.indirect_vreg.gather [hbm4b:s25+s4], $0x80, v4, vm0, $0xb8;
	[tilespmem:$0x18C00] =	vst v63  }
0x300: {  	v3 =	vperm.xlane v3, v2  }
0x301: {  	[tilespmem:s0], [sflag:$0x2] =	stream.indirect_vreg.gather [hbm4b:s8+s4], $0x80, v4, vm0, $0xb8;
	[tilespmem:$0x18C00] =	vst v63  }
0x302: {  	v3 =	vadd.s32 v1, v3  }
0x303: {  	[tilespmem:s1], [sflag:$0x2] =	stream.indirect_vreg.gather [hbm4b:s9+s4], $0x80, v4, vm0, $0xb8;
	[tilespmem:$0x18C00] =	vst v63  }
0x304: {  	_ = 	snop  }
0x305: {  	[tilespmem:s11], [sflag:$0x2] =	stream.indirect_vreg.gather [hbm4b:s10+s4], $0x80, v4, vm0, $0xb8;
	[tilespmem:$0x18C00] =	vst v63  }
0x306: {  	_ = 	snop  }
0x307: {  	[tilespmem:s12], [sflag:$0x2] =	stream.indirect_vreg.gather [hbm4b:s25+s4], $0x80, v3, vm0, $0xb8;
	[tilespmem:$0x18C00] =	vst v63  }
0x308: {  	_ = 	snop  }
0x309: {  	[tilespmem:s18], [sflag:$0x2] =	stream.indirect_vreg.gather [hbm4b:s8+s4], $0x80, v3, vm0, $0xb8;
	[tilespmem:$0x18C00] =	vst v63  }
0x30a: {  	_ = 	snop  }
0x30b: {  	[tilespmem:s21], [sflag:$0x2] =	stream.indirect_vreg.gather [hbm4b:s9+s4], $0x80, v3, vm0, $0xb8;
	[tilespmem:$0x18C00] =	vst v63  }
0x30c: {  	_ = 	snop  }
0x30d: {  	[tilespmem:s26], [sflag:$0x2] =	stream.indirect_vreg.gather [hbm4b:s10+s4], $0x80, v3, vm0, $0xb8;
	[tilespmem:$0x18C00] =	vst v63  }
0x30e: {  	v3 =	vld [tilespmem:$0x200];
	_ =	sdelay $0x4  }
0x30f: {  	v44 =	vshll.u32 v3, $0x3  }
0x310: {  	v3 =	vand.u32 $0x7, v3;
	v4 =	vand.u32 $0xFFFFFFC0, v44  }
0x311: {  	v3 =	vor.u32 v3, v4  }
0x312: {  	v4 =	vperm.xlane v3, v0;
	_ =	sdelay $0x1  }
0x313: {  	v4 =	vadd.s32 v1, v4;
	_ =	sdelay $0x3  }
0x314: {  	s18 =	simm.s32 $0x8C00  }
0x315: {  	[hbm4b:s3+s4] =	stream.indirect_vreg.scatter [tilespmem:s18], [sflag:$0x3], $0x80, v4, vm0, $0xb8;
	[tilespmem:$0x18C00] =	vst v63  }
0x316: {  	s0 =	simm.s32 $0x9400;
	v3 =	vperm.xlane v3, v2  }
0x317: {  	[hbm4b:s5+s4] =	stream.indirect_vreg.scatter [tilespmem:s0], [sflag:$0x3], $0x80, v4, vm0, $0xb8;
	[tilespmem:$0x18C00] =	vst v63  }
0x318: {  	s1 =	simm.s32 $0x9C00;
	v3 =	vadd.s32 v1, v3  }
0x319: {  	[hbm4b:s6+s4] =	stream.indirect_vreg.scatter [tilespmem:s1], [sflag:$0x3], $0x80, v4, vm0, $0xb8;
	[tilespmem:$0x18C00] =	vst v63  }
0x31a: {  	s11 =	simm.s32 $0xA400  }
0x31b: {  	[hbm4b:s7+s4] =	stream.indirect_vreg.scatter [tilespmem:s11], [sflag:$0x3], $0x80, v4, vm0, $0xb8;
	[tilespmem:$0x18C00] =	vst v63  }
0x31c: {  	s12 =	simm.s32 $0xAC00  }
0x31d: {  	[hbm4b:s3+s4] =	stream.indirect_vreg.scatter [tilespmem:s12], [sflag:$0x3], $0x80, v3, vm0, $0xb8;
	[tilespmem:$0x18C00] =	vst v63  }
0x31e: {  	s19 =	simm.s32 $0xB400  }
0x31f: {  	[hbm4b:s5+s4] =	stream.indirect_vreg.scatter [tilespmem:s19], [sflag:$0x3], $0x80, v3, vm0, $0xb8;
	[tilespmem:$0x18C00] =	vst v63  }
0x320: {  	s20 =	simm.s32 $0xBC00  }
0x321: {  	[hbm4b:s6+s4] =	stream.indirect_vreg.scatter [tilespmem:s20], [sflag:$0x3], $0x80, v3, vm0, $0xb8;
	[tilespmem:$0x18C00] =	vst v63  }
0x322: {  	s21 =	simm.s32 $0xC400  }
0x323: {  	[hbm4b:s7+s4] =	stream.indirect_vreg.scatter [tilespmem:s21], [sflag:$0x3], $0x80, v3, vm0, $0xb8;
	[tilespmem:$0x18C00] =	vst v63  }
0x324: {  	v3 =	vld [tilespmem:$0x210];
	_ =	sdelay $0x4  }
0x325: {  	v45 =	vshll.u32 v3, $0x3  }
0x326: {  	v3 =	vand.u32 $0x7, v3;
	v4 =	vand.u32 $0xFFFFFFC0, v45  }
0x327: {  	v3 =	vor.u32 v3, v4  }
0x328: {  	v4 =	vperm.xlane v3, v0;
	_ =	sdelay $0x1  }
0x329: {  	v4 =	vadd.s32 v1, v4;
	_ =	sdelay $0x3  }
0x32a: {  	s14 =	simm.s32 $0xCC00  }
0x32b: {  	[hbm4b:s3+s4] =	stream.indirect_vreg.scatter [tilespmem:s14], [sflag:$0x3], $0x80, v4, vm0, $0xb8;
	[tilespmem:$0x18C00] =	vst v63  }
0x32c: {  	s15 =	simm.s32 $0xD400;
	v3 =	vperm.xlane v3, v2  }
0x32d: {  	[hbm4b:s5+s4] =	stream.indirect_vreg.scatter [tilespmem:s15], [sflag:$0x3], $0x80, v4, vm0, $0xb8;
	[tilespmem:$0x18C00] =	vst v63  }
0x32e: {  	s16 =	simm.s32 $0xDC00;
	v3 =	vadd.s32 v1, v3  }
0x32f: {  	[hbm4b:s6+s4] =	stream.indirect_vreg.scatter [tilespmem:s16], [sflag:$0x3], $0x80, v4, vm0, $0xb8;
	[tilespmem:$0x18C00] =	vst v63  }
0x330: {  	s17 =	simm.s32 $0xE400  }
0x331: {  	[hbm4b:s7+s4] =	stream.indirect_vreg.scatter [tilespmem:s17], [sflag:$0x3], $0x80, v4, vm0, $0xb8;
	[tilespmem:$0x18C00] =	vst v63  }
0x332: {  	s22 =	simm.s32 $0xEC00  }
0x333: {  	[hbm4b:s3+s4] =	stream.indirect_vreg.scatter [tilespmem:s22], [sflag:$0x3], $0x80, v3, vm0, $0xb8;
	[tilespmem:$0x18C00] =	vst v63  }
0x334: {  	s23 =	simm.s32 $0xF400  }
0x335: {  	[hbm4b:s5+s4] =	stream.indirect_vreg.scatter [tilespmem:s23], [sflag:$0x3], $0x80, v3, vm0, $0xb8;
	[tilespmem:$0x18C00] =	vst v63  }
0x336: {  	s24 =	simm.s32 $0xFC00  }
0x337: {  	[hbm4b:s6+s4] =	stream.indirect_vreg.scatter [tilespmem:s24], [sflag:$0x3], $0x80, v3, vm0, $0xb8;
	[tilespmem:$0x18C00] =	vst v63  }
0x338: {  	s26 =	simm.s32 $0x10400  }
0x339: {  	[hbm4b:s7+s4] =	stream.indirect_vreg.scatter [tilespmem:s26], [sflag:$0x3], $0x80, v3, vm0, $0xb8;
	[tilespmem:$0x18C00] =	vst v63  }
0x33a: {  	_ =	swait.ge [sflag:s30], $0x8000  }
0x33b: {  	[sflag:s30] =	ssyncset.done $0x0  }
0x33c: {  	[sflag:s30] =	ssyncadd.s32 $0xFFFF8000  }
0x33d: {  	_ =	swait.ge [sflag:s31], $0x8000  }
0x33e: {  	[sflag:s31] =	ssyncset.done $0x0  }
0x33f: {  	[sflag:s31] =	ssyncadd.s32 $0xFFFF8000  }
0x340: {  	v3 =	vld [tilespmem:$0x300];
	_ =	sdelay $0x4  }
0x341: {  	v46 =	vshll.u32 v3, $0x3  }
0x342: {  	v3 =	vand.u32 $0x7, v3;
	v4 =	vand.u32 $0xFFFFFFC0, v46  }
0x343: {  	v3 =	vor.u32 v3, v4  }
0x344: {  	v4 =	vperm.xlane v3, v0;
	_ =	sdelay $0x1  }
0x345: {  	v4 =	vadd.s32 v1, v4;
	_ =	sdelay $0x4  }
0x346: {  	[tilespmem:s18], [sflag:$0x1] =	stream.indirect_vreg.gather [hbm4b:s25+s4], $0x80, v4, vm0, $0xb8;
	[tilespmem:$0x18C00] =	vst v63  }
0x347: {  	v3 =	vperm.xlane v3, v2  }
0x348: {  	[tilespmem:s0], [sflag:$0x1] =	stream.indirect_vreg.gather [hbm4b:s8+s4], $0x80, v4, vm0, $0xb8;
	[tilespmem:$0x18C00] =	vst v63  }
0x349: {  	v3 =	vadd.s32 v1, v3  }
0x34a: {  	[tilespmem:s1], [sflag:$0x1] =	stream.indirect_vreg.gather [hbm4b:s9+s4], $0x80, v4, vm0, $0xb8;
	[tilespmem:$0x18C00] =	vst v63  }
0x34b: {  	_ = 	snop  }
0x34c: {  	[tilespmem:s11], [sflag:$0x1] =	stream.indirect_vreg.gather [hbm4b:s10+s4], $0x80, v4, vm0, $0xb8;
	[tilespmem:$0x18C00] =	vst v63  }
0x34d: {  	_ = 	snop  }
0x34e: {  	[tilespmem:s12], [sflag:$0x1] =	stream.indirect_vreg.gather [hbm4b:s25+s4], $0x80, v3, vm0, $0xb8;
	[tilespmem:$0x18C00] =	vst v63  }
0x34f: {  	_ = 	snop  }
0x350: {  	[tilespmem:s19], [sflag:$0x1] =	stream.indirect_vreg.gather [hbm4b:s8+s4], $0x80, v3, vm0, $0xb8;
	[tilespmem:$0x18C00] =	vst v63  }
0x351: {  	_ = 	snop  }
0x352: {  	[tilespmem:s20], [sflag:$0x1] =	stream.indirect_vreg.gather [hbm4b:s9+s4], $0x80, v3, vm0, $0xb8;
	[tilespmem:$0x18C00] =	vst v63  }
0x353: {  	_ = 	snop  }
0x354: {  	[tilespmem:s21], [sflag:$0x1] =	stream.indirect_vreg.gather [hbm4b:s10+s4], $0x80, v3, vm0, $0xb8;
	[tilespmem:$0x18C00] =	vst v63  }
0x355: {  	v3 =	vld [tilespmem:$0x310];
	_ =	sdelay $0x4  }
0x356: {  	v47 =	vshll.u32 v3, $0x3  }
0x357: {  	v3 =	vand.u32 $0x7, v3;
	v4 =	vand.u32 $0xFFFFFFC0, v47  }
0x358: {  	v3 =	vor.u32 v3, v4  }
0x359: {  	v4 =	vperm.xlane v3, v0;
	_ =	sdelay $0x1  }
0x35a: {  	v4 =	vadd.s32 v1, v4;
	_ =	sdelay $0x4  }
0x35b: {  	[tilespmem:s14], [sflag:$0x1] =	stream.indirect_vreg.gather [hbm4b:s25+s4], $0x80, v4, vm0, $0xb8;
	[tilespmem:$0x18C00] =	vst v63  }
0x35c: {  	v3 =	vperm.xlane v3, v2  }
0x35d: {  	[tilespmem:s15], [sflag:$0x1] =	stream.indirect_vreg.gather [hbm4b:s8+s4], $0x80, v4, vm0, $0xb8;
	[tilespmem:$0x18C00] =	vst v63  }
0x35e: {  	v3 =	vadd.s32 v1, v3  }
0x35f: {  	[tilespmem:s16], [sflag:$0x1] =	stream.indirect_vreg.gather [hbm4b:s9+s4], $0x80, v4, vm0, $0xb8;
	[tilespmem:$0x18C00] =	vst v63  }
0x360: {  	_ = 	snop  }
0x361: {  	[tilespmem:s17], [sflag:$0x1] =	stream.indirect_vreg.gather [hbm4b:s10+s4], $0x80, v4, vm0, $0xb8;
	[tilespmem:$0x18C00] =	vst v63  }
0x362: {  	_ = 	snop  }
0x363: {  	[tilespmem:s22], [sflag:$0x1] =	stream.indirect_vreg.gather [hbm4b:s25+s4], $0x80, v3, vm0, $0xb8;
	[tilespmem:$0x18C00] =	vst v63  }
0x364: {  	_ = 	snop  }
0x365: {  	[tilespmem:s23], [sflag:$0x1] =	stream.indirect_vreg.gather [hbm4b:s8+s4], $0x80, v3, vm0, $0xb8;
	[tilespmem:$0x18C00] =	vst v63  }
0x366: {  	_ = 	snop  }
0x367: {  	[tilespmem:s24], [sflag:$0x1] =	stream.indirect_vreg.gather [hbm4b:s9+s4], $0x80, v3, vm0, $0xb8;
	[tilespmem:$0x18C00] =	vst v63  }
0x368: {  	_ = 	snop  }
0x369: {  	[tilespmem:s26], [sflag:$0x1] =	stream.indirect_vreg.gather [hbm4b:s10+s4], $0x80, v3, vm0, $0xb8;
	[tilespmem:$0x18C00] =	vst v63  }
0x36a: {  	v3 =	vld [tilespmem:$0x280];
	_ =	sdelay $0x4  }
0x36b: {  	v48 =	vshll.u32 v3, $0x3  }
0x36c: {  	v3 =	vand.u32 $0x7, v3;
	v4 =	vand.u32 $0xFFFFFFC0, v48  }
0x36d: {  	v3 =	vor.u32 v3, v4  }
0x36e: {  	v4 =	vperm.xlane v3, v0;
	_ =	sdelay $0x1  }
0x36f: {  	v4 =	vadd.s32 v1, v4;
	_ =	sdelay $0x3  }
0x370: {  	s22 =	simm.s32 $0x10C00  }
0x371: {  	[hbm4b:s3+s4] =	stream.indirect_vreg.scatter [tilespmem:s22], [sflag:$0x4], $0x80, v4, vm0, $0xb8;
	[tilespmem:$0x18C00] =	vst v63  }
0x372: {  	s2 =	simm.s32 $0x11400;
	v3 =	vperm.xlane v3, v2  }
0x373: {  	[hbm4b:s5+s4] =	stream.indirect_vreg.scatter [tilespmem:s2], [sflag:$0x4], $0x80, v4, vm0, $0xb8;
	[tilespmem:$0x18C00] =	vst v63  }
0x374: {  	s12 =	simm.s32 $0x11C00;
	v3 =	vadd.s32 v1, v3  }
0x375: {  	[hbm4b:s6+s4] =	stream.indirect_vreg.scatter [tilespmem:s12], [sflag:$0x4], $0x80, v4, vm0, $0xb8;
	[tilespmem:$0x18C00] =	vst v63  }
0x376: {  	s19 =	simm.s32 $0x12400  }
0x377: {  	[hbm4b:s7+s4] =	stream.indirect_vreg.scatter [tilespmem:s19], [sflag:$0x4], $0x80, v4, vm0, $0xb8;
	[tilespmem:$0x18C00] =	vst v63  }
0x378: {  	s20 =	simm.s32 $0x12C00  }
0x379: {  	[hbm4b:s3+s4] =	stream.indirect_vreg.scatter [tilespmem:s20], [sflag:$0x4], $0x80, v3, vm0, $0xb8;
	[tilespmem:$0x18C00] =	vst v63  }
0x37a: {  	s0 =	simm.s32 $0x13400  }
0x37b: {  	[hbm4b:s5+s4] =	stream.indirect_vreg.scatter [tilespmem:s0], [sflag:$0x4], $0x80, v3, vm0, $0xb8;
	[tilespmem:$0x18C00] =	vst v63  }
0x37c: {  	s14 =	simm.s32 $0x13C00  }
0x37d: {  	[hbm4b:s6+s4] =	stream.indirect_vreg.scatter [tilespmem:s14], [sflag:$0x4], $0x80, v3, vm0, $0xb8;
	[tilespmem:$0x18C00] =	vst v63  }
0x37e: {  	s15 =	simm.s32 $0x14400  }
0x37f: {  	[hbm4b:s7+s4] =	stream.indirect_vreg.scatter [tilespmem:s15], [sflag:$0x4], $0x80, v3, vm0, $0xb8;
	[tilespmem:$0x18C00] =	vst v63  }
0x380: {  	v3 =	vld [tilespmem:$0x290];
	_ =	sdelay $0x4  }
0x381: {  	v49 =	vshll.u32 v3, $0x3  }
0x382: {  	v3 =	vand.u32 $0x7, v3;
	v4 =	vand.u32 $0xFFFFFFC0, v49  }
0x383: {  	v3 =	vor.u32 v3, v4  }
0x384: {  	v4 =	vperm.xlane v3, v0;
	_ =	sdelay $0x1  }
0x385: {  	v4 =	vadd.s32 v1, v4;
	_ =	sdelay $0x3  }
0x386: {  	s16 =	simm.s32 $0x14C00  }
0x387: {  	[hbm4b:s3+s4] =	stream.indirect_vreg.scatter [tilespmem:s16], [sflag:$0x4], $0x80, v4, vm0, $0xb8;
	[tilespmem:$0x18C00] =	vst v63  }
0x388: {  	s23 =	simm.s32 $0x15400;
	v3 =	vperm.xlane v3, v2  }
0x389: {  	[hbm4b:s5+s4] =	stream.indirect_vreg.scatter [tilespmem:s23], [sflag:$0x4], $0x80, v4, vm0, $0xb8;
	[tilespmem:$0x18C00] =	vst v63  }
0x38a: {  	s24 =	simm.s32 $0x15C00;
	v3 =	vadd.s32 v1, v3  }
0x38b: {  	[hbm4b:s6+s4] =	stream.indirect_vreg.scatter [tilespmem:s24], [sflag:$0x4], $0x80, v4, vm0, $0xb8;
	[tilespmem:$0x18C00] =	vst v63  }
0x38c: {  	s26 =	simm.s32 $0x16400  }
0x38d: {  	[hbm4b:s7+s4] =	stream.indirect_vreg.scatter [tilespmem:s26], [sflag:$0x4], $0x80, v4, vm0, $0xb8;
	[tilespmem:$0x18C00] =	vst v63  }
0x38e: {  	s1 =	simm.s32 $0x16C00  }
0x38f: {  	[hbm4b:s3+s4] =	stream.indirect_vreg.scatter [tilespmem:s1], [sflag:$0x4], $0x80, v3, vm0, $0xb8;
	[tilespmem:$0x18C00] =	vst v63  }
0x390: {  	s11 =	simm.s32 $0x17400  }
0x391: {  	[hbm4b:s5+s4] =	stream.indirect_vreg.scatter [tilespmem:s11], [sflag:$0x4], $0x80, v3, vm0, $0xb8;
	[tilespmem:$0x18C00] =	vst v63  }
0x392: {  	s17 =	simm.s32 $0x17C00  }
0x393: {  	[hbm4b:s6+s4] =	stream.indirect_vreg.scatter [tilespmem:s17], [sflag:$0x4], $0x80, v3, vm0, $0xb8;
	[tilespmem:$0x18C00] =	vst v63  }
0x394: {  	s21 =	simm.s32 $0x18400  }
0x395: {  	[hbm4b:s7+s4] =	stream.indirect_vreg.scatter [tilespmem:s21], [sflag:$0x4], $0x80, v3, vm0, $0xb8;
	[tilespmem:$0x18C00] =	vst v63  }
0x396: {  	_ =	swait.ge [sflag:s29], $0x8000  }
0x397: {  	[sflag:s29] =	ssyncset.done $0x0  }
0x398: {  	[sflag:s29] =	ssyncadd.s32 $0xFFFF8000  }
0x399: {  	_ =	swait.ge [sflag:s28], $0x8000  }
0x39a: {  	[sflag:s28] =	ssyncset.done $0x0  }
0x39b: {  	[sflag:s28] =	ssyncadd.s32 $0xFFFF8000  }
0x39c: {  	v3 =	vld [tilespmem:$0x380];
	_ =	sdelay $0x4  }
0x39d: {  	v50 =	vshll.u32 v3, $0x3  }
0x39e: {  	v3 =	vand.u32 $0x7, v3;
	v4 =	vand.u32 $0xFFFFFFC0, v50  }
0x39f: {  	v3 =	vor.u32 v3, v4  }
0x3a0: {  	v4 =	vperm.xlane v3, v0;
	_ =	sdelay $0x1  }
0x3a1: {  	v4 =	vadd.s32 v1, v4;
	_ =	sdelay $0x4  }
0x3a2: {  	[tilespmem:s22], [sflag:$0x2] =	stream.indirect_vreg.gather [hbm4b:s25+s4], $0x80, v4, vm0, $0xb8;
	[tilespmem:$0x18C00] =	vst v63  }
0x3a3: {  	v3 =	vperm.xlane v3, v2  }
0x3a4: {  	[tilespmem:s2], [sflag:$0x2] =	stream.indirect_vreg.gather [hbm4b:s8+s4], $0x80, v4, vm0, $0xb8;
	[tilespmem:$0x18C00] =	vst v63  }
0x3a5: {  	v3 =	vadd.s32 v1, v3  }
0x3a6: {  	[tilespmem:s12], [sflag:$0x2] =	stream.indirect_vreg.gather [hbm4b:s9+s4], $0x80, v4, vm0, $0xb8;
	[tilespmem:$0x18C00] =	vst v63  }
0x3a7: {  	_ = 	snop  }
0x3a8: {  	[tilespmem:s19], [sflag:$0x2] =	stream.indirect_vreg.gather [hbm4b:s10+s4], $0x80, v4, vm0, $0xb8;
	[tilespmem:$0x18C00] =	vst v63  }
0x3a9: {  	_ = 	snop  }
0x3aa: {  	[tilespmem:s20], [sflag:$0x2] =	stream.indirect_vreg.gather [hbm4b:s25+s4], $0x80, v3, vm0, $0xb8;
	[tilespmem:$0x18C00] =	vst v63  }
0x3ab: {  	_ = 	snop  }
0x3ac: {  	[tilespmem:s0], [sflag:$0x2] =	stream.indirect_vreg.gather [hbm4b:s8+s4], $0x80, v3, vm0, $0xb8;
	[tilespmem:$0x18C00] =	vst v63  }
0x3ad: {  	_ = 	snop  }
0x3ae: {  	[tilespmem:s14], [sflag:$0x2] =	stream.indirect_vreg.gather [hbm4b:s9+s4], $0x80, v3, vm0, $0xb8;
	[tilespmem:$0x18C00] =	vst v63  }
0x3af: {  	_ = 	snop  }
0x3b0: {  	[tilespmem:s15], [sflag:$0x2] =	stream.indirect_vreg.gather [hbm4b:s10+s4], $0x80, v3, vm0, $0xb8;
	[tilespmem:$0x18C00] =	vst v63  }
0x3b1: {  	v3 =	vld [tilespmem:$0x390];
	_ =	sdelay $0x4  }
0x3b2: {  	v51 =	vshll.u32 v3, $0x3  }
0x3b3: {  	v3 =	vand.u32 $0x7, v3;
	v4 =	vand.u32 $0xFFFFFFC0, v51  }
0x3b4: {  	v3 =	vor.u32 v3, v4  }
0x3b5: {  	v4 =	vperm.xlane v3, v0;
	_ =	sdelay $0x1  }
0x3b6: {  	v4 =	vadd.s32 v1, v4;
	_ =	sdelay $0x4  }
0x3b7: {  	[tilespmem:s16], [sflag:$0x2] =	stream.indirect_vreg.gather [hbm4b:s25+s4], $0x80, v4, vm0, $0xb8;
	[tilespmem:$0x18C00] =	vst v63  }
0x3b8: {  	v3 =	vperm.xlane v3, v2  }
0x3b9: {  	[tilespmem:s23], [sflag:$0x2] =	stream.indirect_vreg.gather [hbm4b:s8+s4], $0x80, v4, vm0, $0xb8;
	[tilespmem:$0x18C00] =	vst v63  }
0x3ba: {  	v3 =	vadd.s32 v1, v3  }
0x3bb: {  	[tilespmem:s24], [sflag:$0x2] =	stream.indirect_vreg.gather [hbm4b:s9+s4], $0x80, v4, vm0, $0xb8;
	[tilespmem:$0x18C00] =	vst v63  }
0x3bc: {  	_ = 	snop  }
0x3bd: {  	[tilespmem:s26], [sflag:$0x2] =	stream.indirect_vreg.gather [hbm4b:s10+s4], $0x80, v4, vm0, $0xb8;
	[tilespmem:$0x18C00] =	vst v63  }
0x3be: {  	_ = 	snop  }
0x3bf: {  	[tilespmem:s1], [sflag:$0x2] =	stream.indirect_vreg.gather [hbm4b:s25+s4], $0x80, v3, vm0, $0xb8;
	[tilespmem:$0x18C00] =	vst v63  }
0x3c0: {  	_ = 	snop  }
0x3c1: {  	[tilespmem:s11], [sflag:$0x2] =	stream.indirect_vreg.gather [hbm4b:s8+s4], $0x80, v3, vm0, $0xb8;
	[tilespmem:$0x18C00] =	vst v63  }
0x3c2: {  	_ = 	snop  }
0x3c3: {  	[tilespmem:s17], [sflag:$0x2] =	stream.indirect_vreg.gather [hbm4b:s9+s4], $0x80, v3, vm0, $0xb8;
	[tilespmem:$0x18C00] =	vst v63  }
0x3c4: {  	_ = 	snop  }
0x3c5: {  	[tilespmem:s21], [sflag:$0x2] =	stream.indirect_vreg.gather [hbm4b:s10+s4], $0x80, v3, vm0, $0xb8;
	[tilespmem:$0x18C00] =	vst v63  }
0x3c6: {  	v3 =	vld [tilespmem:$0x300];
	_ =	sdelay $0x4  }
0x3c7: {  	v52 =	vshll.u32 v3, $0x3  }
0x3c8: {  	v3 =	vand.u32 $0x7, v3;
	v4 =	vand.u32 $0xFFFFFFC0, v52  }
0x3c9: {  	v3 =	vor.u32 v3, v4  }
0x3ca: {  	v4 =	vperm.xlane v3, v0;
	_ =	sdelay $0x1  }
0x3cb: {  	v4 =	vadd.s32 v1, v4;
	_ =	sdelay $0x3  }
0x3cc: {  	s13 =	simm.s32 $0x8C00  }
0x3cd: {  	[hbm4b:s3+s4] =	stream.indirect_vreg.scatter [tilespmem:s13], [sflag:$0x3], $0x80, v4, vm0, $0xb8;
	[tilespmem:$0x18C00] =	vst v63  }
0x3ce: {  	s18 =	simm.s32 $0x9400;
	v3 =	vperm.xlane v3, v2  }
0x3cf: {  	[hbm4b:s5+s4] =	stream.indirect_vreg.scatter [tilespmem:s18], [sflag:$0x3], $0x80, v4, vm0, $0xb8;
	[tilespmem:$0x18C00] =	vst v63  }
0x3d0: {  	s2 =	simm.s32 $0x9C00;
	v3 =	vadd.s32 v1, v3  }
0x3d1: {  	[hbm4b:s6+s4] =	stream.indirect_vreg.scatter [tilespmem:s2], [sflag:$0x3], $0x80, v4, vm0, $0xb8;
	[tilespmem:$0x18C00] =	vst v63  }
0x3d2: {  	s0 =	simm.s32 $0xA400  }
0x3d3: {  	[hbm4b:s7+s4] =	stream.indirect_vreg.scatter [tilespmem:s0], [sflag:$0x3], $0x80, v4, vm0, $0xb8;
	[tilespmem:$0x18C00] =	vst v63  }
0x3d4: {  	s1 =	simm.s32 $0xAC00  }
0x3d5: {  	[hbm4b:s3+s4] =	stream.indirect_vreg.scatter [tilespmem:s1], [sflag:$0x3], $0x80, v3, vm0, $0xb8;
	[tilespmem:$0x18C00] =	vst v63  }
0x3d6: {  	s11 =	simm.s32 $0xB400  }
0x3d7: {  	[hbm4b:s5+s4] =	stream.indirect_vreg.scatter [tilespmem:s11], [sflag:$0x3], $0x80, v3, vm0, $0xb8;
	[tilespmem:$0x18C00] =	vst v63  }
0x3d8: {  	s12 =	simm.s32 $0xBC00  }
0x3d9: {  	[hbm4b:s6+s4] =	stream.indirect_vreg.scatter [tilespmem:s12], [sflag:$0x3], $0x80, v3, vm0, $0xb8;
	[tilespmem:$0x18C00] =	vst v63  }
0x3da: {  	s19 =	simm.s32 $0xC400  }
0x3db: {  	[hbm4b:s7+s4] =	stream.indirect_vreg.scatter [tilespmem:s19], [sflag:$0x3], $0x80, v3, vm0, $0xb8;
	[tilespmem:$0x18C00] =	vst v63  }
0x3dc: {  	v3 =	vld [tilespmem:$0x310];
	_ =	sdelay $0x4  }
0x3dd: {  	v53 =	vshll.u32 v3, $0x3  }
0x3de: {  	v3 =	vand.u32 $0x7, v3;
	v4 =	vand.u32 $0xFFFFFFC0, v53  }
0x3df: {  	v3 =	vor.u32 v3, v4  }
0x3e0: {  	v4 =	vperm.xlane v3, v0;
	_ =	sdelay $0x1  }
0x3e1: {  	v4 =	vadd.s32 v1, v4;
	_ =	sdelay $0x3  }
0x3e2: {  	s20 =	simm.s32 $0xCC00  }
0x3e3: {  	[hbm4b:s3+s4] =	stream.indirect_vreg.scatter [tilespmem:s20], [sflag:$0x3], $0x80, v4, vm0, $0xb8;
	[tilespmem:$0x18C00] =	vst v63  }
0x3e4: {  	s21 =	simm.s32 $0xD400;
	v3 =	vperm.xlane v3, v2  }
0x3e5: {  	[hbm4b:s5+s4] =	stream.indirect_vreg.scatter [tilespmem:s21], [sflag:$0x3], $0x80, v4, vm0, $0xb8;
	[tilespmem:$0x18C00] =	vst v63  }
0x3e6: {  	s14 =	simm.s32 $0xDC00;
	v3 =	vadd.s32 v1, v3  }
0x3e7: {  	[hbm4b:s6+s4] =	stream.indirect_vreg.scatter [tilespmem:s14], [sflag:$0x3], $0x80, v4, vm0, $0xb8;
	[tilespmem:$0x18C00] =	vst v63  }
0x3e8: {  	s15 =	simm.s32 $0xE400  }
0x3e9: {  	[hbm4b:s7+s4] =	stream.indirect_vreg.scatter [tilespmem:s15], [sflag:$0x3], $0x80, v4, vm0, $0xb8;
	[tilespmem:$0x18C00] =	vst v63  }
0x3ea: {  	s16 =	simm.s32 $0xEC00  }
0x3eb: {  	[hbm4b:s3+s4] =	stream.indirect_vreg.scatter [tilespmem:s16], [sflag:$0x3], $0x80, v3, vm0, $0xb8;
	[tilespmem:$0x18C00] =	vst v63  }
0x3ec: {  	s17 =	simm.s32 $0xF400  }
0x3ed: {  	[hbm4b:s5+s4] =	stream.indirect_vreg.scatter [tilespmem:s17], [sflag:$0x3], $0x80, v3, vm0, $0xb8;
	[tilespmem:$0x18C00] =	vst v63  }
0x3ee: {  	s22 =	simm.s32 $0xFC00  }
0x3ef: {  	[hbm4b:s6+s4] =	stream.indirect_vreg.scatter [tilespmem:s22], [sflag:$0x3], $0x80, v3, vm0, $0xb8;
	[tilespmem:$0x18C00] =	vst v63  }
0x3f0: {  	s23 =	simm.s32 $0x10400  }
0x3f1: {  	[hbm4b:s7+s4] =	stream.indirect_vreg.scatter [tilespmem:s23], [sflag:$0x3], $0x80, v3, vm0, $0xb8;
	[tilespmem:$0x18C00] =	vst v63  }
0x3f2: {  	_ =	swait.ge [sflag:s30], $0x8000  }
0x3f3: {  	[sflag:s30] =	ssyncset.done $0x0  }
0x3f4: {  	[sflag:s30] =	ssyncadd.s32 $0xFFFF8000  }
0x3f5: {  	_ =	swait.ge [sflag:s31], $0x8000  }
0x3f6: {  	[sflag:s31] =	ssyncset.done $0x0  }
0x3f7: {  	[sflag:s31] =	ssyncadd.s32 $0xFFFF8000  }
0x3f8: {  	v3 =	vld [tilespmem:$0x400];
	_ =	sdelay $0x4  }
0x3f9: {  	v54 =	vshll.u32 v3, $0x3  }
0x3fa: {  	v3 =	vand.u32 $0x7, v3;
	v4 =	vand.u32 $0xFFFFFFC0, v54  }
0x3fb: {  	v3 =	vor.u32 v3, v4  }
0x3fc: {  	v4 =	vperm.xlane v3, v0;
	_ =	sdelay $0x1  }
0x3fd: {  	v4 =	vadd.s32 v1, v4;
	_ =	sdelay $0x4  }
0x3fe: {  	[tilespmem:s13], [sflag:$0x1] =	stream.indirect_vreg.gather [hbm4b:s25+s4], $0x80, v4, vm0, $0xb8;
	[tilespmem:$0x18C00] =	vst v63  }
0x3ff: {  	v3 =	vperm.xlane v3, v2  }
0x400: {  	[tilespmem:s18], [sflag:$0x1] =	stream.indirect_vreg.gather [hbm4b:s8+s4], $0x80, v4, vm0, $0xb8;
	[tilespmem:$0x18C00] =	vst v63  }
0x401: {  	v3 =	vadd.s32 v1, v3  }
0x402: {  	[tilespmem:s2], [sflag:$0x1] =	stream.indirect_vreg.gather [hbm4b:s9+s4], $0x80, v4, vm0, $0xb8;
	[tilespmem:$0x18C00] =	vst v63  }
0x403: {  	_ = 	snop  }
0x404: {  	[tilespmem:s0], [sflag:$0x1] =	stream.indirect_vreg.gather [hbm4b:s10+s4], $0x80, v4, vm0, $0xb8;
	[tilespmem:$0x18C00] =	vst v63  }
0x405: {  	_ = 	snop  }
0x406: {  	[tilespmem:s1], [sflag:$0x1] =	stream.indirect_vreg.gather [hbm4b:s25+s4], $0x80, v3, vm0, $0xb8;
	[tilespmem:$0x18C00] =	vst v63  }
0x407: {  	_ = 	snop  }
0x408: {  	[tilespmem:s11], [sflag:$0x1] =	stream.indirect_vreg.gather [hbm4b:s8+s4], $0x80, v3, vm0, $0xb8;
	[tilespmem:$0x18C00] =	vst v63  }
0x409: {  	_ = 	snop  }
0x40a: {  	[tilespmem:s12], [sflag:$0x1] =	stream.indirect_vreg.gather [hbm4b:s9+s4], $0x80, v3, vm0, $0xb8;
	[tilespmem:$0x18C00] =	vst v63  }
0x40b: {  	_ = 	snop  }
0x40c: {  	[tilespmem:s19], [sflag:$0x1] =	stream.indirect_vreg.gather [hbm4b:s10+s4], $0x80, v3, vm0, $0xb8;
	[tilespmem:$0x18C00] =	vst v63  }
0x40d: {  	v3 =	vld [tilespmem:$0x410];
	_ =	sdelay $0x4  }
0x40e: {  	v55 =	vshll.u32 v3, $0x3  }
0x40f: {  	v3 =	vand.u32 $0x7, v3;
	v4 =	vand.u32 $0xFFFFFFC0, v55  }
0x410: {  	v3 =	vor.u32 v3, v4  }
0x411: {  	v4 =	vperm.xlane v3, v0;
	_ =	sdelay $0x1  }
0x412: {  	v4 =	vadd.s32 v1, v4;
	_ =	sdelay $0x4  }
0x413: {  	[tilespmem:s20], [sflag:$0x1] =	stream.indirect_vreg.gather [hbm4b:s25+s4], $0x80, v4, vm0, $0xb8;
	[tilespmem:$0x18C00] =	vst v63  }
0x414: {  	v3 =	vperm.xlane v3, v2  }
0x415: {  	[tilespmem:s21], [sflag:$0x1] =	stream.indirect_vreg.gather [hbm4b:s8+s4], $0x80, v4, vm0, $0xb8;
	[tilespmem:$0x18C00] =	vst v63  }
0x416: {  	v3 =	vadd.s32 v1, v3  }
0x417: {  	[tilespmem:s14], [sflag:$0x1] =	stream.indirect_vreg.gather [hbm4b:s9+s4], $0x80, v4, vm0, $0xb8;
	[tilespmem:$0x18C00] =	vst v63  }
0x418: {  	_ = 	snop  }
0x419: {  	[tilespmem:s15], [sflag:$0x1] =	stream.indirect_vreg.gather [hbm4b:s10+s4], $0x80, v4, vm0, $0xb8;
	[tilespmem:$0x18C00] =	vst v63  }
0x41a: {  	_ = 	snop  }
0x41b: {  	[tilespmem:s16], [sflag:$0x1] =	stream.indirect_vreg.gather [hbm4b:s25+s4], $0x80, v3, vm0, $0xb8;
	[tilespmem:$0x18C00] =	vst v63  }
0x41c: {  	_ = 	snop  }
0x41d: {  	[tilespmem:s17], [sflag:$0x1] =	stream.indirect_vreg.gather [hbm4b:s8+s4], $0x80, v3, vm0, $0xb8;
	[tilespmem:$0x18C00] =	vst v63  }
0x41e: {  	_ = 	snop  }
0x41f: {  	[tilespmem:s22], [sflag:$0x1] =	stream.indirect_vreg.gather [hbm4b:s9+s4], $0x80, v3, vm0, $0xb8;
	[tilespmem:$0x18C00] =	vst v63  }
0x420: {  	_ = 	snop  }
0x421: {  	[tilespmem:s23], [sflag:$0x1] =	stream.indirect_vreg.gather [hbm4b:s10+s4], $0x80, v3, vm0, $0xb8;
	[tilespmem:$0x18C00] =	vst v63  }
0x422: {  	v3 =	vld [tilespmem:$0x380];
	_ =	sdelay $0x4  }
0x423: {  	v56 =	vshll.u32 v3, $0x3  }
0x424: {  	v3 =	vand.u32 $0x7, v3;
	v4 =	vand.u32 $0xFFFFFFC0, v56  }
0x425: {  	v3 =	vor.u32 v3, v4  }
0x426: {  	v4 =	vperm.xlane v3, v0;
	_ =	sdelay $0x1  }
0x427: {  	v4 =	vadd.s32 v1, v4;
	_ =	sdelay $0x3  }
0x428: {  	s17 =	simm.s32 $0x10C00  }
0x429: {  	[hbm4b:s3+s4] =	stream.indirect_vreg.scatter [tilespmem:s17], [sflag:$0x4], $0x80, v4, vm0, $0xb8;
	[tilespmem:$0x18C00] =	vst v63  }
0x42a: {  	s2 =	simm.s32 $0x11400;
	v3 =	vperm.xlane v3, v2  }
0x42b: {  	[hbm4b:s5+s4] =	stream.indirect_vreg.scatter [tilespmem:s2], [sflag:$0x4], $0x80, v4, vm0, $0xb8;
	[tilespmem:$0x18C00] =	vst v63  }
0x42c: {  	s21 =	simm.s32 $0x11C00;
	v3 =	vadd.s32 v1, v3  }
0x42d: {  	[hbm4b:s6+s4] =	stream.indirect_vreg.scatter [tilespmem:s21], [sflag:$0x4], $0x80, v4, vm0, $0xb8;
	[tilespmem:$0x18C00] =	vst v63  }
0x42e: {  	s11 =	simm.s32 $0x12400  }
0x42f: {  	[hbm4b:s7+s4] =	stream.indirect_vreg.scatter [tilespmem:s11], [sflag:$0x4], $0x80, v4, vm0, $0xb8;
	[tilespmem:$0x18C00] =	vst v63  }
0x430: {  	s22 =	simm.s32 $0x12C00  }
0x431: {  	[hbm4b:s3+s4] =	stream.indirect_vreg.scatter [tilespmem:s22], [sflag:$0x4], $0x80, v3, vm0, $0xb8;
	[tilespmem:$0x18C00] =	vst v63  }
0x432: {  	s19 =	simm.s32 $0x13400  }
0x433: {  	[hbm4b:s5+s4] =	stream.indirect_vreg.scatter [tilespmem:s19], [sflag:$0x4], $0x80, v3, vm0, $0xb8;
	[tilespmem:$0x18C00] =	vst v63  }
0x434: {  	s18 =	simm.s32 $0x13C00  }
0x435: {  	[hbm4b:s6+s4] =	stream.indirect_vreg.scatter [tilespmem:s18], [sflag:$0x4], $0x80, v3, vm0, $0xb8;
	[tilespmem:$0x18C00] =	vst v63  }
0x436: {  	s13 =	simm.s32 $0x14400  }
0x437: {  	[hbm4b:s7+s4] =	stream.indirect_vreg.scatter [tilespmem:s13], [sflag:$0x4], $0x80, v3, vm0, $0xb8;
	[tilespmem:$0x18C00] =	vst v63  }
0x438: {  	v3 =	vld [tilespmem:$0x390];
	_ =	sdelay $0x4  }
0x439: {  	v57 =	vshll.u32 v3, $0x3  }
0x43a: {  	v3 =	vand.u32 $0x7, v3;
	v4 =	vand.u32 $0xFFFFFFC0, v57  }
0x43b: {  	v3 =	vor.u32 v3, v4  }
0x43c: {  	v4 =	vperm.xlane v3, v0;
	_ =	sdelay $0x1  }
0x43d: {  	v4 =	vadd.s32 v1, v4;
	_ =	sdelay $0x3  }
0x43e: {  	s14 =	simm.s32 $0x14C00  }
0x43f: {  	[hbm4b:s3+s4] =	stream.indirect_vreg.scatter [tilespmem:s14], [sflag:$0x4], $0x80, v4, vm0, $0xb8;
	[tilespmem:$0x18C00] =	vst v63  }
0x440: {  	s15 =	simm.s32 $0x15400;
	v3 =	vperm.xlane v3, v2  }
0x441: {  	[hbm4b:s5+s4] =	stream.indirect_vreg.scatter [tilespmem:s15], [sflag:$0x4], $0x80, v4, vm0, $0xb8;
	[tilespmem:$0x18C00] =	vst v63  }
0x442: {  	s23 =	simm.s32 $0x15C00;
	v3 =	vadd.s32 v1, v3  }
0x443: {  	[hbm4b:s6+s4] =	stream.indirect_vreg.scatter [tilespmem:s23], [sflag:$0x4], $0x80, v4, vm0, $0xb8;
	[tilespmem:$0x18C00] =	vst v63  }
0x444: {  	s0 =	simm.s32 $0x16400  }
0x445: {  	[hbm4b:s7+s4] =	stream.indirect_vreg.scatter [tilespmem:s0], [sflag:$0x4], $0x80, v4, vm0, $0xb8;
	[tilespmem:$0x18C00] =	vst v63  }
0x446: {  	s26 =	simm.s32 $0x16C00  }
0x447: {  	[hbm4b:s3+s4] =	stream.indirect_vreg.scatter [tilespmem:s26], [sflag:$0x4], $0x80, v3, vm0, $0xb8;
	[tilespmem:$0x18C00] =	vst v63  }
0x448: {  	s24 =	simm.s32 $0x17400  }
0x449: {  	[hbm4b:s5+s4] =	stream.indirect_vreg.scatter [tilespmem:s24], [sflag:$0x4], $0x80, v3, vm0, $0xb8;
	[tilespmem:$0x18C00] =	vst v63  }
0x44a: {  	s1 =	simm.s32 $0x17C00  }
0x44b: {  	[hbm4b:s6+s4] =	stream.indirect_vreg.scatter [tilespmem:s1], [sflag:$0x4], $0x80, v3, vm0, $0xb8;
	[tilespmem:$0x18C00] =	vst v63  }
0x44c: {  	s16 =	simm.s32 $0x18400  }
0x44d: {  	[hbm4b:s7+s4] =	stream.indirect_vreg.scatter [tilespmem:s16], [sflag:$0x4], $0x80, v3, vm0, $0xb8;
	[tilespmem:$0x18C00] =	vst v63  }
0x44e: {  	_ =	swait.ge [sflag:s29], $0x8000  }
0x44f: {  	[sflag:s29] =	ssyncset.done $0x0  }
0x450: {  	[sflag:s29] =	ssyncadd.s32 $0xFFFF8000  }
0x451: {  	_ =	swait.ge [sflag:s28], $0x8000  }
0x452: {  	[sflag:s28] =	ssyncset.done $0x0  }
0x453: {  	[sflag:s28] =	ssyncadd.s32 $0xFFFF8000  }
0x454: {  	v3 =	vld [tilespmem:$0x480];
	_ =	sdelay $0x4  }
0x455: {  	v58 =	vshll.u32 v3, $0x3  }
0x456: {  	v3 =	vand.u32 $0x7, v3;
	v4 =	vand.u32 $0xFFFFFFC0, v58  }
0x457: {  	v3 =	vor.u32 v3, v4  }
0x458: {  	v4 =	vperm.xlane v3, v0;
	_ =	sdelay $0x1  }
0x459: {  	v4 =	vadd.s32 v1, v4;
	_ =	sdelay $0x4  }
0x45a: {  	[tilespmem:s17], [sflag:$0x2] =	stream.indirect_vreg.gather [hbm4b:s25+s4], $0x80, v4, vm0, $0xb8;
	[tilespmem:$0x18C00] =	vst v63  }
0x45b: {  	v3 =	vperm.xlane v3, v2  }
0x45c: {  	[tilespmem:s2], [sflag:$0x2] =	stream.indirect_vreg.gather [hbm4b:s8+s4], $0x80, v4, vm0, $0xb8;
	[tilespmem:$0x18C00] =	vst v63  }
0x45d: {  	v3 =	vadd.s32 v1, v3  }
0x45e: {  	[tilespmem:s21], [sflag:$0x2] =	stream.indirect_vreg.gather [hbm4b:s9+s4], $0x80, v4, vm0, $0xb8;
	[tilespmem:$0x18C00] =	vst v63  }
0x45f: {  	_ = 	snop  }
0x460: {  	[tilespmem:s11], [sflag:$0x2] =	stream.indirect_vreg.gather [hbm4b:s10+s4], $0x80, v4, vm0, $0xb8;
	[tilespmem:$0x18C00] =	vst v63  }
0x461: {  	_ = 	snop  }
0x462: {  	[tilespmem:s22], [sflag:$0x2] =	stream.indirect_vreg.gather [hbm4b:s25+s4], $0x80, v3, vm0, $0xb8;
	[tilespmem:$0x18C00] =	vst v63  }
0x463: {  	_ = 	snop  }
0x464: {  	[tilespmem:s19], [sflag:$0x2] =	stream.indirect_vreg.gather [hbm4b:s8+s4], $0x80, v3, vm0, $0xb8;
	[tilespmem:$0x18C00] =	vst v63  }
0x465: {  	_ = 	snop  }
0x466: {  	[tilespmem:s18], [sflag:$0x2] =	stream.indirect_vreg.gather [hbm4b:s9+s4], $0x80, v3, vm0, $0xb8;
	[tilespmem:$0x18C00] =	vst v63  }
0x467: {  	_ = 	snop  }
0x468: {  	[tilespmem:s13], [sflag:$0x2] =	stream.indirect_vreg.gather [hbm4b:s10+s4], $0x80, v3, vm0, $0xb8;
	[tilespmem:$0x18C00] =	vst v63  }
0x469: {  	v3 =	vld [tilespmem:$0x490];
	_ =	sdelay $0x4  }
0x46a: {  	v59 =	vshll.u32 v3, $0x3  }
0x46b: {  	v3 =	vand.u32 $0x7, v3;
	v4 =	vand.u32 $0xFFFFFFC0, v59  }
0x46c: {  	v3 =	vor.u32 v3, v4  }
0x46d: {  	v4 =	vperm.xlane v3, v0;
	_ =	sdelay $0x1  }
0x46e: {  	v4 =	vadd.s32 v1, v4;
	_ =	sdelay $0x4  }
0x46f: {  	[tilespmem:s14], [sflag:$0x2] =	stream.indirect_vreg.gather [hbm4b:s25+s4], $0x80, v4, vm0, $0xb8;
	[tilespmem:$0x18C00] =	vst v63  }
0x470: {  	v3 =	vperm.xlane v3, v2  }
0x471: {  	[tilespmem:s15], [sflag:$0x2] =	stream.indirect_vreg.gather [hbm4b:s8+s4], $0x80, v4, vm0, $0xb8;
	[tilespmem:$0x18C00] =	vst v63  }
0x472: {  	v3 =	vadd.s32 v1, v3  }
0x473: {  	[tilespmem:s23], [sflag:$0x2] =	stream.indirect_vreg.gather [hbm4b:s9+s4], $0x80, v4, vm0, $0xb8;
	[tilespmem:$0x18C00] =	vst v63  }
0x474: {  	_ = 	snop  }
0x475: {  	[tilespmem:s0], [sflag:$0x2] =	stream.indirect_vreg.gather [hbm4b:s10+s4], $0x80, v4, vm0, $0xb8;
	[tilespmem:$0x18C00] =	vst v63  }
0x476: {  	_ = 	snop  }
0x477: {  	[tilespmem:s26], [sflag:$0x2] =	stream.indirect_vreg.gather [hbm4b:s25+s4], $0x80, v3, vm0, $0xb8;
	[tilespmem:$0x18C00] =	vst v63  }
0x478: {  	_ = 	snop  }
0x479: {  	[tilespmem:s24], [sflag:$0x2] =	stream.indirect_vreg.gather [hbm4b:s8+s4], $0x80, v3, vm0, $0xb8;
	[tilespmem:$0x18C00] =	vst v63  }
0x47a: {  	_ = 	snop  }
0x47b: {  	[tilespmem:s1], [sflag:$0x2] =	stream.indirect_vreg.gather [hbm4b:s9+s4], $0x80, v3, vm0, $0xb8;
	[tilespmem:$0x18C00] =	vst v63  }
0x47c: {  	_ = 	snop  }
0x47d: {  	[tilespmem:s16], [sflag:$0x2] =	stream.indirect_vreg.gather [hbm4b:s10+s4], $0x80, v3, vm0, $0xb8;
	[tilespmem:$0x18C00] =	vst v63  }
0x47e: {  	v3 =	vld [tilespmem:$0x400];
	_ =	sdelay $0x4  }
0x47f: {  	v60 =	vshll.u32 v3, $0x3  }
0x480: {  	v3 =	vand.u32 $0x7, v3;
	v4 =	vand.u32 $0xFFFFFFC0, v60  }
0x481: {  	v3 =	vor.u32 v3, v4  }
0x482: {  	v4 =	vperm.xlane v3, v0;
	_ =	sdelay $0x1  }
0x483: {  	v4 =	vadd.s32 v1, v4;
	_ =	sdelay $0x3  }
0x484: {  	s16 =	simm.s32 $0x8C00  }
0x485: {  	[hbm4b:s3+s4] =	stream.indirect_vreg.scatter [tilespmem:s16], [sflag:$0x3], $0x80, v4, vm0, $0xb8;
	[tilespmem:$0x18C00] =	vst v63  }
0x486: {  	v3 =	vperm.xlane v3, v2;
	s16 =	simm.s32 $0x9400  }
0x487: {  	[hbm4b:s5+s4] =	stream.indirect_vreg.scatter [tilespmem:s16], [sflag:$0x3], $0x80, v4, vm0, $0xb8;
	[tilespmem:$0x18C00] =	vst v63  }
0x488: {  	v3 =	vadd.s32 v1, v3;
	s16 =	simm.s32 $0x9C00  }
0x489: {  	[hbm4b:s6+s4] =	stream.indirect_vreg.scatter [tilespmem:s16], [sflag:$0x3], $0x80, v4, vm0, $0xb8;
	[tilespmem:$0x18C00] =	vst v63  }
0x48a: {  	s16 =	simm.s32 $0xA400  }
0x48b: {  	[hbm4b:s7+s4] =	stream.indirect_vreg.scatter [tilespmem:s16], [sflag:$0x3], $0x80, v4, vm0, $0xb8;
	[tilespmem:$0x18C00] =	vst v63  }
0x48c: {  	s16 =	simm.s32 $0xAC00  }
0x48d: {  	[hbm4b:s3+s4] =	stream.indirect_vreg.scatter [tilespmem:s16], [sflag:$0x3], $0x80, v3, vm0, $0xb8;
	[tilespmem:$0x18C00] =	vst v63  }
0x48e: {  	s16 =	simm.s32 $0xB400  }
0x48f: {  	[hbm4b:s5+s4] =	stream.indirect_vreg.scatter [tilespmem:s16], [sflag:$0x3], $0x80, v3, vm0, $0xb8;
	[tilespmem:$0x18C00] =	vst v63  }
0x490: {  	s16 =	simm.s32 $0xBC00  }
0x491: {  	[hbm4b:s6+s4] =	stream.indirect_vreg.scatter [tilespmem:s16], [sflag:$0x3], $0x80, v3, vm0, $0xb8;
	[tilespmem:$0x18C00] =	vst v63  }
0x492: {  	s16 =	simm.s32 $0xC400  }
0x493: {  	[hbm4b:s7+s4] =	stream.indirect_vreg.scatter [tilespmem:s16], [sflag:$0x3], $0x80, v3, vm0, $0xb8;
	[tilespmem:$0x18C00] =	vst v63  }
0x494: {  	v3 =	vld [tilespmem:$0x410];
	_ =	sdelay $0x4  }
0x495: {  	v61 =	vshll.u32 v3, $0x3  }
0x496: {  	v3 =	vand.u32 $0x7, v3;
	v4 =	vand.u32 $0xFFFFFFC0, v61  }
0x497: {  	v3 =	vor.u32 v3, v4  }
0x498: {  	v4 =	vperm.xlane v3, v0;
	_ =	sdelay $0x1  }
0x499: {  	v4 =	vadd.s32 v1, v4;
	_ =	sdelay $0x3  }
0x49a: {  	s16 =	simm.s32 $0xCC00  }
0x49b: {  	[hbm4b:s3+s4] =	stream.indirect_vreg.scatter [tilespmem:s16], [sflag:$0x3], $0x80, v4, vm0, $0xb8;
	[tilespmem:$0x18C00] =	vst v63  }
0x49c: {  	s20 =	simm.s32 $0xD400;
	v3 =	vperm.xlane v3, v2  }
0x49d: {  	[hbm4b:s5+s4] =	stream.indirect_vreg.scatter [tilespmem:s20], [sflag:$0x3], $0x80, v4, vm0, $0xb8;
	[tilespmem:$0x18C00] =	vst v63  }
0x49e: {  	v3 =	vadd.s32 v1, v3;
	s20 =	simm.s32 $0xDC00  }
0x49f: {  	[hbm4b:s6+s4] =	stream.indirect_vreg.scatter [tilespmem:s20], [sflag:$0x3], $0x80, v4, vm0, $0xb8;
	[tilespmem:$0x18C00] =	vst v63  }
0x4a0: {  	s20 =	simm.s32 $0xE400  }
0x4a1: {  	[hbm4b:s7+s4] =	stream.indirect_vreg.scatter [tilespmem:s20], [sflag:$0x3], $0x80, v4, vm0, $0xb8;
	[tilespmem:$0x18C00] =	vst v63  }
0x4a2: {  	s20 =	simm.s32 $0xEC00  }
0x4a3: {  	[hbm4b:s3+s4] =	stream.indirect_vreg.scatter [tilespmem:s20], [sflag:$0x3], $0x80, v3, vm0, $0xb8;
	[tilespmem:$0x18C00] =	vst v63  }
0x4a4: {  	s20 =	simm.s32 $0xF400  }
0x4a5: {  	[hbm4b:s5+s4] =	stream.indirect_vreg.scatter [tilespmem:s20], [sflag:$0x3], $0x80, v3, vm0, $0xb8;
	[tilespmem:$0x18C00] =	vst v63  }
0x4a6: {  	s20 =	simm.s32 $0xFC00  }
0x4a7: {  	[hbm4b:s6+s4] =	stream.indirect_vreg.scatter [tilespmem:s20], [sflag:$0x3], $0x80, v3, vm0, $0xb8;
	[tilespmem:$0x18C00] =	vst v63  }
0x4a8: {  	s20 =	simm.s32 $0x10400  }
0x4a9: {  	[hbm4b:s7+s4] =	stream.indirect_vreg.scatter [tilespmem:s20], [sflag:$0x3], $0x80, v3, vm0, $0xb8;
	[tilespmem:$0x18C00] =	vst v63  }
0x4aa: {  	s2 =	rddreg [dreg:$0x8];
	_ =	swait.ge [sflag:s30], $0x8000  }
0x4ab: {  	[sflag:s30] =	ssyncset.done $0x0  }
0x4ac: {  	[sflag:s30] =	ssyncadd.s32 $0xFFFF8000  }
0x4ad: {  	v3 =	vld [tilespmem:$0x480];
	_ =	sdelay $0x4  }
0x4ae: {  	v62 =	vshll.u32 v3, $0x3  }
0x4af: {  	v3 =	vand.u32 $0x7, v3;
	v4 =	vand.u32 $0xFFFFFFC0, v62  }
0x4b0: {  	v3 =	vor.u32 v3, v4  }
0x4b1: {  	v4 =	vperm.xlane v3, v0;
	_ =	sdelay $0x1  }
0x4b2: {  	v4 =	vadd.s32 v1, v4;
	_ =	sdelay $0x3  }
0x4b3: {  	s12 =	simm.s32 $0x10C00  }
0x4b4: {  	[hbm4b:s3+s4] =	stream.indirect_vreg.scatter [tilespmem:s12], [sflag:$0x4], $0x80, v4, vm0, $0xb8;
	[tilespmem:$0x18C00] =	vst v63  }
0x4b5: {  	s17 =	simm.s32 $0x11400;
	v3 =	vperm.xlane v3, v2  }
0x4b6: {  	[hbm4b:s5+s4] =	stream.indirect_vreg.scatter [tilespmem:s17], [sflag:$0x4], $0x80, v4, vm0, $0xb8;
	[tilespmem:$0x18C00] =	vst v63  }
0x4b7: {  	s21 =	simm.s32 $0x11C00;
	v3 =	vadd.s32 v1, v3  }
0x4b8: {  	[hbm4b:s6+s4] =	stream.indirect_vreg.scatter [tilespmem:s21], [sflag:$0x4], $0x80, v4, vm0, $0xb8;
	[tilespmem:$0x18C00] =	vst v63  }
0x4b9: {  	s11 =	simm.s32 $0x12400  }
0x4ba: {  	[hbm4b:s7+s4] =	stream.indirect_vreg.scatter [tilespmem:s11], [sflag:$0x4], $0x80, v4, vm0, $0xb8;
	[tilespmem:$0x18C00] =	vst v63  }
0x4bb: {  	s22 =	simm.s32 $0x12C00  }
0x4bc: {  	[hbm4b:s3+s4] =	stream.indirect_vreg.scatter [tilespmem:s22], [sflag:$0x4], $0x80, v3, vm0, $0xb8;
	[tilespmem:$0x18C00] =	vst v63  }
0x4bd: {  	s19 =	simm.s32 $0x13400  }
0x4be: {  	[hbm4b:s5+s4] =	stream.indirect_vreg.scatter [tilespmem:s19], [sflag:$0x4], $0x80, v3, vm0, $0xb8;
	[tilespmem:$0x18C00] =	vst v63  }
0x4bf: {  	s18 =	simm.s32 $0x13C00  }
0x4c0: {  	[hbm4b:s6+s4] =	stream.indirect_vreg.scatter [tilespmem:s18], [sflag:$0x4], $0x80, v3, vm0, $0xb8;
	[tilespmem:$0x18C00] =	vst v63  }
0x4c1: {  	s13 =	simm.s32 $0x14400  }
0x4c2: {  	[hbm4b:s7+s4] =	stream.indirect_vreg.scatter [tilespmem:s13], [sflag:$0x4], $0x80, v3, vm0, $0xb8;
	[tilespmem:$0x18C00] =	vst v63  }
0x4c3: {  	v3 =	vld [tilespmem:$0x490];
	_ =	sdelay $0x4  }
0x4c4: {  	v63 =	vshll.u32 v3, $0x3  }
0x4c5: {  	v3 =	vand.u32 $0x7, v3;
	v4 =	vand.u32 $0xFFFFFFC0, v63  }
0x4c6: {  	v3 =	vor.u32 v3, v4  }
0x4c7: {  	v4 =	vperm.xlane v3, v0;
	_ =	sdelay $0x1  }
0x4c8: {  	v4 =	vadd.s32 v1, v4;
	_ =	sdelay $0x3  }
0x4c9: {  	s14 =	simm.s32 $0x14C00  }
0x4ca: {  	[hbm4b:s3+s4] =	stream.indirect_vreg.scatter [tilespmem:s14], [sflag:$0x4], $0x80, v4, vm0, $0xb8;
	[tilespmem:$0x18C00] =	vst v63  }
0x4cb: {  	s15 =	simm.s32 $0x15400;
	v3 =	vperm.xlane v3, v2  }
0x4cc: {  	[hbm4b:s5+s4] =	stream.indirect_vreg.scatter [tilespmem:s15], [sflag:$0x4], $0x80, v4, vm0, $0xb8;
	[tilespmem:$0x18C00] =	vst v63  }
0x4cd: {  	s23 =	simm.s32 $0x15C00;
	v3 =	vadd.s32 v1, v3  }
0x4ce: {  	[hbm4b:s6+s4] =	stream.indirect_vreg.scatter [tilespmem:s23], [sflag:$0x4], $0x80, v4, vm0, $0xb8;
	[tilespmem:$0x18C00] =	vst v63  }
0x4cf: {  	s29 =	simm.s32 $0x16400  }
0x4d0: {  	[hbm4b:s7+s4] =	stream.indirect_vreg.scatter [tilespmem:s29], [sflag:$0x4], $0x80, v4, vm0, $0xb8;
	[tilespmem:$0x18C00] =	vst v63  }
0x4d1: {  	_ = 	snop  }
0x4d2: {  	[hbm4b:s3+s4] =	stream.indirect_vreg.scatter [tilespmem:s26], [sflag:$0x4], $0x80, v3, vm0, $0xb8;
	[tilespmem:$0x18C00] =	vst v63  }
0x4d3: {  	_ = 	snop  }
0x4d4: {  	[hbm4b:s5+s4] =	stream.indirect_vreg.scatter [tilespmem:s24], [sflag:$0x4], $0x80, v3, vm0, $0xb8;
	[tilespmem:$0x18C00] =	vst v63  }
0x4d5: {  	s0 =	simm.s32 $0x17C00  }
0x4d6: {  	[hbm4b:s6+s4] =	stream.indirect_vreg.scatter [tilespmem:s0], [sflag:$0x4], $0x80, v3, vm0, $0xb8;
	[tilespmem:$0x18C00] =	vst v63  }
0x4d7: {  	s1 =	simm.s32 $0x18400  }
0x4d8: {  	[hbm4b:s7+s4] =	stream.indirect_vreg.scatter [tilespmem:s1], [sflag:$0x4], $0x80, v3, vm0, $0xb8;
	[tilespmem:$0x18C00] =	vst v63  }
0x4d9: {  	_ =	swait.ge [sflag:s31], $0x8000  }
0x4da: {  	[sflag:s31] =	ssyncset.done $0x0  }
0x4db: {  	[sflag:s31] =	ssyncadd.s32 $0xFFFF8000  }
0x4dc: {  	_ =	swait.ge [sflag:s28], $0x8000  }
0x4dd: {  	[sflag:s28] =	ssyncset.done $0x0  }
0x4de: {  	s31 =	simm.s32 $0x5;
	[sflag:s28] =	ssyncadd.s32 $0xFFFF8000  }
0x4df: {  	_ =	swait.ge [sflag:s31], $0x8000  }
0x4e0: {  	[sflag:s31] =	ssyncset.done $0x0  }
0x4e1: {  	[sflag:s31] =	ssyncadd.s32 $0xFFFF8000  }
0x4e2: {  	_ =	swait.ge [sflag:s31], $0x8000  }
0x4e3: {  	[sflag:s31] =	ssyncset.done $0x0  }
0x4e4: {  	[sflag:s31] =	ssyncadd.s32 $0xFFFF8000  }
0x4e5: {  	_ =	swait.ge [sflag:s31], $0x8000  }
0x4e6: {  	[sflag:s31] =	ssyncset.done $0x0  }
0x4e7: {  	[sflag:s31] =	ssyncadd.s32 $0xFFFF8000  }
0x4e8: {  	_ =	swait.ge [sflag:s31], $0x8000  }
0x4e9: {  	[sflag:s31] =	ssyncset.done $0x0  }
0x4ea: {  	[sflag:s31] =	ssyncadd.s32 $0xFFFF8000  }
0x4eb: {  	_ =	swait.ge [sflag:s31], $0x8000  }
0x4ec: {  	[sflag:s31] =	ssyncset.done $0x0  }
0x4ed: {  	[sflag:s31] =	ssyncadd.s32 $0xFFFF8000  }
0x4ee: {  	p0 =	sne.s32 s2, $0x1;
	_ =	swait.ge [sflag:s31], $0x8000  }
.Ltmp0:
0x4ef: {  	[sflag:s31] =	ssyncset.done $0x0;
	(pc) =	sbr.rel @p0 .LBB2_1-.Ltmp0, $4  }
0x4f0: {  	[sflag:s31] =	ssyncadd.s32 $0xFFFF8000  }
0x4f1: {  	_ =	swait.ge [sflag:s31], $0x8000  }
0x4f2: {  	[sflag:s31] =	ssyncset.done $0x0  }
0x4f3: {  	s2 =	sadd.s32 $0xFFFFFFFF, s2;
	[sflag:s31] =	ssyncadd.s32 $0xFFFF8000  }
0x4f4: {  	_ =	sfence.sel $0x180000  }
0x4f5: {  	[bflag:$0x0] =	sbarrier.arrive $0xFFFF  }
0x4f6: {  	_ =	strace $0x90000047  }
0x4f7: {  	s0 =	stileid.u32;
	[bflag:$0x2] =	sbarrier.arrive $0xFFFF  }
0x4f8: {  	p0 =	sne.s32 s0, $0x0;
	s0 =	rddreg [dreg:$0x3]  }
0x4f9: {  	s0 =	sadd.s32 @!p0 $0x100000, s0  }
0x4fa: {  	[sflag:s0] =	ssyncadd.tile.s32 @!p0 $0x1;
	_ =	shalt  }
.Lfunc_end2:
_tile_overlayer_lowered:
.L_overlay_start_2:
0x4fb: {  	(tag) =	ssettag $0x2  }
0x4fc: {  	s0 =	rddreg [dreg:$0x0];
	s2 =	stileid.u32  }
0x4fd: {  	s1 =	rddreg [dreg:$0x1];
	p0 =	sne.s32 s2, $0x0  }
0x4fe: {  	s3 =	rddreg [dreg:$0x2];
	[bflag:$0x3] =	sbarrier.arrive $0xFFFF;
	s2 =	simm.s32 @!p0 $0x1C06  }
0x4ff: {  	[timem:s3], [sflag:s2] =	dma.local @!p0 [hbm:s0], s1  }
0x500: {  	s0 =	simm.s32 @!p0 $0x6  }
0x501: {  	_ =	swait.ge @!p0 [sflag:s0], s1  }
0x502: {  	s1 =	ssub.s32 @!p0 $0x0, s1;
	[sflag:s0] =	ssyncset.done @!p0 $0x0  }
0x503: {  	[sflag:s0] =	ssyncadd.s32 @!p0 s1  }
0x504: {  	[bflag:$0x3] =	sbarrier.arrive $0xFFFF  }
0x505: {  	_ =	shalt  }

</sc_bundles>
